<compile_context>
chip_gen: v7x
topology: tpu7x:2x2x1
jax: 0.10.2.dev20260603
libtpu: 0.0.44.dev20260713+nightly
codegen_flags: <defaults>
</compile_context>

<pallas_src>
import dataclasses
import functools

import jax
import jax.numpy as jnp
from jax import lax
from jax.experimental import pallas as pl
from jax.experimental.pallas import tpu as pltpu
from jax.experimental.pallas import tpu_sc as plsc

N = 2_000_000
C = 128
L = 16
NC = 2
NS = 16
NW = NC * NS
PW = 62_496
NCHUNK = 18
NBUF = 3
NGROUP = NCHUNK // NBUF
CH = PW // NCHUNK
UNROLL = 7
TAIL_BASE = PW * NW
TAIL = N - TAIL_BASE

_mesh = plsc.VectorSubcoreMesh(core_axis_name="c", subcore_axis_name="s")

_cp = pltpu.CompilerParams()
if "needs_layout_passes" in pltpu.CompilerParams.__dataclass_fields__:
    _cp = dataclasses.replace(_cp, needs_layout_passes=False)


@functools.partial(
    pl.kernel,
    out_type=jax.ShapeDtypeStruct((NW, C), jnp.float32),
    mesh=_mesh,
    compiler_params=_cp,
    scratch_types=(
        [pltpu.VMEM((CH,), jnp.float32) for _ in range(NBUF)]
        + [pltpu.VMEM((CH,), jnp.int32) for _ in range(NBUF)]
        + [
            pltpu.VMEM((L, C), jnp.float32),
            pltpu.VMEM((C,), jnp.float32),
        ]
        + [pltpu.SemaphoreType.DMA for _ in range(2 * NBUF)]
    ),
)
def _sc_partial_sums(x_hbm, lab_hbm, out_hbm, *refs):
    vbufs = refs[:NBUF]
    lbufs = refs[NBUF:2 * NBUF]
    acc, obuf = refs[2 * NBUF], refs[2 * NBUF + 1]
    svs = refs[2 * NBUF + 2:2 * NBUF + 2 + NBUF]
    sls = refs[2 * NBUF + 2 + NBUF:]
    wid = lax.axis_index("s") * NC + lax.axis_index("c")
    zero = jnp.zeros((L,), jnp.float32)
    for r in range(L):
        for cb in range(C // L):
            acc[r, pl.ds(cb * L, L)] = zero
    lane = lax.iota(jnp.int32, L)
    base = wid * PW

    def start(j, b):
        pltpu.async_copy(x_hbm.at[pl.ds(base + j * CH, CH)], vbufs[b], svs[b])
        pltpu.async_copy(lab_hbm.at[pl.ds(base + j * CH, CH)], lbufs[b], sls[b])

    def wait(j, b):
        pltpu.make_async_copy(
            x_hbm.at[pl.ds(base + j * CH, CH)], vbufs[b], svs[b]).wait()
        pltpu.make_async_copy(
            lab_hbm.at[pl.ds(base + j * CH, CH)], lbufs[b], sls[b]).wait()

    def accum_block(vb, lb, nelem, unroll):
        @plsc.parallel_loop(0, nelem, step=L, unroll=unroll)
        def _(i):
            plsc.addupdate_scatter(
                acc, [lane, lb[pl.ds(i, L)]], vb[pl.ds(i, L)])

    for b in range(NBUF):
        start(b, b)

    @pl.loop(0, NGROUP - 1)
    def _(g):
        j0 = g * NBUF
        for b in range(NBUF):
            wait(j0 + b, b)
            accum_block(vbufs[b], lbufs[b], CH, UNROLL)
            start(j0 + NBUF + b, b)

    for b in range(NBUF):
        wait((NGROUP - 1) * NBUF + b, b)
        accum_block(vbufs[b], lbufs[b], CH, UNROLL)

    @pl.when(wid == 0)
    def _():
        pltpu.sync_copy(x_hbm.at[pl.ds(TAIL_BASE, TAIL)], vbufs[0].at[pl.ds(0, TAIL)])
        pltpu.sync_copy(lab_hbm.at[pl.ds(TAIL_BASE, TAIL)], lbufs[0].at[pl.ds(0, TAIL)])
        accum_block(vbufs[0], lbufs[0], TAIL, 1)

    for cb in range(C // L):
        s = acc[0, pl.ds(cb * L, L)]
        for r in range(1, L):
            s = s + acc[r, pl.ds(cb * L, L)]
        obuf[pl.ds(cb * L, L)] = s
    pltpu.sync_copy(obuf, out_hbm.at[wid])


def _tc_reduce(partials):
    def body(in_ref, out_ref):
        out_ref[...] = jnp.sum(in_ref[...], axis=0, keepdims=True)

    return pl.pallas_call(
        body,
        out_shape=jax.ShapeDtypeStruct((1, C), jnp.float32),
    )(partials)


def kernel(inputs, labels):
    partials = _sc_partial_sums(inputs, labels)
    return _tc_reduce(partials).reshape((C,))

# --- scband reference (transcript-rebuilt; emitter-appended) ---
"""Pipeline reference for scband-model-geo-62380105008225 (READ-ONLY COPY).

The authoritative reference and input builder live on the scoring server;
editing this copy changes nothing except your own understanding.
"""

import jax, jax.numpy as jnp
import numpy as np

N = 2_000_000  # InputData.N (number of initial neighbourhoods)
C = 128        # Communities.N (N_communities)


def setup_inputs(seed: int = 0) -> dict:
    key = jax.random.key(seed)
    k1, k2 = jax.random.split(key)
    inputs = jax.random.normal(k1, (N,), dtype=jnp.float32)
    labels = jax.random.randint(k2, (N,), 0, C, dtype=jnp.int32)
    return {"inputs": inputs, "labels": labels}


def reference(inputs, labels):
    # Original TF forward:
    #   indices = transpose(stack([labels, range(N)]))
    #   M = tf.scatter_nd(indices, inputs, shape=(C, N))   # one-hot-by-label placement
    #   out = tf.reduce_sum(M, axis=1)                      # (C,)
    # Since every (label_i, i) index pair is unique, scatter_nd followed by a
    # row-sum is mathematically identical to a segment-sum over labels.
    out = jax.ops.segment_sum(inputs, labels, num_segments=C)
    return out

if __name__ == "__main__":
    import jax
    _d = setup_inputs()
    print(jax.jit(kernel)(*tuple(_d.values())))

</pallas_src>

<mosaic_0001>
#map = affine_map<(d0, d1) -> (0)>
#map1 = affine_map<(d0, d1) -> (0, 0)>
module attributes {stable_mosaic.version = 14 : i64} {
  func.func @_sc_partial_sums(%arg0: i32, %arg1: i32, %arg2: memref<2000000xf32, #tpu.memory_space<hbm>>, %arg3: memref<2000000xi32, #tpu.memory_space<hbm>>, %arg4: memref<32x128xf32, #tpu.memory_space<hbm>>, %arg5: memref<3472xf32, #tpu.memory_space<vmem>>, %arg6: memref<3472xf32, #tpu.memory_space<vmem>>, %arg7: memref<3472xf32, #tpu.memory_space<vmem>>, %arg8: memref<3472xi32, #tpu.memory_space<vmem>>, %arg9: memref<3472xi32, #tpu.memory_space<vmem>>, %arg10: memref<3472xi32, #tpu.memory_space<vmem>>, %arg11: memref<16x128xf32, #tpu.memory_space<vmem>>, %arg12: memref<128xf32, #tpu.memory_space<vmem>>, %arg13: memref<!tpu.dma_semaphore, #tpu.memory_space<semaphore_mem>>, %arg14: memref<!tpu.dma_semaphore, #tpu.memory_space<semaphore_mem>>, %arg15: memref<!tpu.dma_semaphore, #tpu.memory_space<semaphore_mem>>, %arg16: memref<!tpu.dma_semaphore, #tpu.memory_space<semaphore_mem>>, %arg17: memref<!tpu.dma_semaphore, #tpu.memory_space<semaphore_mem>>, %arg18: memref<!tpu.dma_semaphore, #tpu.memory_space<semaphore_mem>>) attributes {dimension_semantics = [#tpu.dimension_semantics<core_parallel>, #tpu.dimension_semantics<subcore_parallel>], iteration_bounds = array<i64: 2, 16>, scalar_prefetch = 0 : i64, scratch_operands = 14 : i64, tpu.core_type = #tpu.core_type<sc_vector_subcore>, window_params = [{transform_indices = #map}, {transform_indices = #map}, {transform_indices = #map1}]} {
    %mul3A = arith.constant 2 : i32
    %mul3A_0 = arith.muli %arg1, %mul3A : i32
    %add3A = arith.addi %mul3A_0, %arg0 : i32
    %broadcast_in_dim3A = arith.constant 0.000000e+00 : f32
    %broadcast_in_dim3A_1 = vector.broadcast %broadcast_in_dim3A : f32 to vector<16xf32>
    %swap3A = arith.constant 0 : i32
    %swap3A_2 = arith.index_cast %swap3A : i32 to index
    %swap3A_3 = arith.constant 0 : index
    %swap3A_4 = tpu.vector_load %arg11[%swap3A_2, %swap3A_3] {strides = array<i32>} : memref<16x128xf32, #tpu.memory_space<vmem>>, vector<16xf32>,
    tpu.vector_store %arg11[%swap3A_2, %swap3A_3], %broadcast_in_dim3A_1 {strides = array<i32>} : memref<16x128xf32, #tpu.memory_space<vmem>>, vector<16xf32>,
    %swap3A_5 = arith.constant 0 : i32
    %swap3A_6 = arith.index_cast %swap3A_5 : i32 to index
    %swap3A_7 = arith.constant 16 : index
    %swap3A_8 = tpu.vector_load %arg11[%swap3A_6, %swap3A_7] {strides = array<i32>} : memref<16x128xf32, #tpu.memory_space<vmem>>, vector<16xf32>,
    tpu.vector_store %arg11[%swap3A_6, %swap3A_7], %broadcast_in_dim3A_1 {strides = array<i32>} : memref<16x128xf32, #tpu.memory_space<vmem>>, vector<16xf32>,
    %swap3A_9 = arith.constant 0 : i32
    %swap3A_10 = arith.index_cast %swap3A_9 : i32 to index
    %swap3A_11 = arith.constant 32 : index
    %swap3A_12 = tpu.vector_load %arg11[%swap3A_10, %swap3A_11] {strides = array<i32>} : memref<16x128xf32, #tpu.memory_space<vmem>>, vector<16xf32>,
    tpu.vector_store %arg11[%swap3A_10, %swap3A_11], %broadcast_in_dim3A_1 {strides = array<i32>} : memref<16x128xf32, #tpu.memory_space<vmem>>, vector<16xf32>,
    %swap3A_13 = arith.constant 0 : i32
    %swap3A_14 = arith.index_cast %swap3A_13 : i32 to index
    %swap3A_15 = arith.constant 48 : index
    %swap3A_16 = tpu.vector_load %arg11[%swap3A_14, %swap3A_15] {strides = array<i32>} : memref<16x128xf32, #tpu.memory_space<vmem>>, vector<16xf32>,
    tpu.vector_store %arg11[%swap3A_14, %swap3A_15], %broadcast_in_dim3A_1 {strides = array<i32>} : memref<16x128xf32, #tpu.memory_space<vmem>>, vector<16xf32>,
    %swap3A_17 = arith.constant 0 : i32
    %swap3A_18 = arith.index_cast %swap3A_17 : i32 to index
    %swap3A_19 = arith.constant 64 : index
    %swap3A_20 = tpu.vector_load %arg11[%swap3A_18, %swap3A_19] {strides = array<i32>} : memref<16x128xf32, #tpu.memory_space<vmem>>, vector<16xf32>,
    tpu.vector_store %arg11[%swap3A_18, %swap3A_19], %broadcast_in_dim3A_1 {strides = array<i32>} : memref<16x128xf32, #tpu.memory_space<vmem>>, vector<16xf32>,
    %swap3A_21 = arith.constant 0 : i32
    %swap3A_22 = arith.index_cast %swap3A_21 : i32 to index
    %swap3A_23 = arith.constant 80 : index
    %swap3A_24 = tpu.vector_load %arg11[%swap3A_22, %swap3A_23] {strides = array<i32>} : memref<16x128xf32, #tpu.memory_space<vmem>>, vector<16xf32>,
    tpu.vector_store %arg11[%swap3A_22, %swap3A_23], %broadcast_in_dim3A_1 {strides = array<i32>} : memref<16x128xf32, #tpu.memory_space<vmem>>, vector<16xf32>,
    %swap3A_25 = arith.constant 0 : i32
    %swap3A_26 = arith.index_cast %swap3A_25 : i32 to index
    %swap3A_27 = arith.constant 96 : index
    %swap3A_28 = tpu.vector_load %arg11[%swap3A_26, %swap3A_27] {strides = array<i32>} : memref<16x128xf32, #tpu.memory_space<vmem>>, vector<16xf32>,
    tpu.vector_store %arg11[%swap3A_26, %swap3A_27], %broadcast_in_dim3A_1 {strides = array<i32>} : memref<16x128xf32, #tpu.memory_space<vmem>>, vector<16xf32>,
    %swap3A_29 = arith.constant 0 : i32
    %swap3A_30 = arith.index_cast %swap3A_29 : i32 to index
    %swap3A_31 = arith.constant 112 : index
    %swap3A_32 = tpu.vector_load %arg11[%swap3A_30, %swap3A_31] {strides = array<i32>} : memref<16x128xf32, #tpu.memory_space<vmem>>, vector<16xf32>,
    tpu.vector_store %arg11[%swap3A_30, %swap3A_31], %broadcast_in_dim3A_1 {strides = array<i32>} : memref<16x128xf32, #tpu.memory_space<vmem>>, vector<16xf32>,
    %swap3A_33 = arith.constant 1 : i32
    %swap3A_34 = arith.index_cast %swap3A_33 : i32 to index
    %swap3A_35 = arith.constant 0 : index
    %swap3A_36 = tpu.vector_load %arg11[%swap3A_34, %swap3A_35] {strides = array<i32>} : memref<16x128xf32, #tpu.memory_space<vmem>>, vector<16xf32>,
    tpu.vector_store %arg11[%swap3A_34, %swap3A_35], %broadcast_in_dim3A_1 {strides = array<i32>} : memref<16x128xf32, #tpu.memory_space<vmem>>, vector<16xf32>,
    %swap3A_37 = arith.constant 1 : i32
    %swap3A_38 = arith.index_cast %swap3A_37 : i32 to index
    %swap3A_39 = arith.constant 16 : index
    %swap3A_40 = tpu.vector_load %arg11[%swap3A_38, %swap3A_39] {strides = array<i32>} : memref<16x128xf32, #tpu.memory_space<vmem>>, vector<16xf32>,
    tpu.vector_store %arg11[%swap3A_38, %swap3A_39], %broadcast_in_dim3A_1 {strides = array<i32>} : memref<16x128xf32, #tpu.memory_space<vmem>>, vector<16xf32>,
    %swap3A_41 = arith.constant 1 : i32
    %swap3A_42 = arith.index_cast %swap3A_41 : i32 to index
    %swap3A_43 = arith.constant 32 : index
    %swap3A_44 = tpu.vector_load %arg11[%swap3A_42, %swap3A_43] {strides = array<i32>} : memref<16x128xf32, #tpu.memory_space<vmem>>, vector<16xf32>,
    tpu.vector_store %arg11[%swap3A_42, %swap3A_43], %broadcast_in_dim3A_1 {strides = array<i32>} : memref<16x128xf32, #tpu.memory_space<vmem>>, vector<16xf32>,
    %swap3A_45 = arith.constant 1 : i32
    %swap3A_46 = arith.index_cast %swap3A_45 : i32 to index
    %swap3A_47 = arith.constant 48 : index
    %swap3A_48 = tpu.vector_load %arg11[%swap3A_46, %swap3A_47] {strides = array<i32>} : memref<16x128xf32, #tpu.memory_space<vmem>>, vector<16xf32>,
    tpu.vector_store %arg11[%swap3A_46, %swap3A_47], %broadcast_in_dim3A_1 {strides = array<i32>} : memref<16x128xf32, #tpu.memory_space<vmem>>, vector<16xf32>,
    %swap3A_49 = arith.constant 1 : i32
    %swap3A_50 = arith.index_cast %swap3A_49 : i32 to index
    %swap3A_51 = arith.constant 64 : index
    %swap3A_52 = tpu.vector_load %arg11[%swap3A_50, %swap3A_51] {strides = array<i32>} : memref<16x128xf32, #tpu.memory_space<vmem>>, vector<16xf32>,
    tpu.vector_store %arg11[%swap3A_50, %swap3A_51], %broadcast_in_dim3A_1 {strides = array<i32>} : memref<16x128xf32, #tpu.memory_space<vmem>>, vector<16xf32>,
    %swap3A_53 = arith.constant 1 : i32
    %swap3A_54 = arith.index_cast %swap3A_53 : i32 to index
    %swap3A_55 = arith.constant 80 : index
    %swap3A_56 = tpu.vector_load %arg11[%swap3A_54, %swap3A_55] {strides = array<i32>} : memref<16x128xf32, #tpu.memory_space<vmem>>, vector<16xf32>,
    tpu.vector_store %arg11[%swap3A_54, %swap3A_55], %broadcast_in_dim3A_1 {strides = array<i32>} : memref<16x128xf32, #tpu.memory_space<vmem>>, vector<16xf32>,
    %swap3A_57 = arith.constant 1 : i32
    %swap3A_58 = arith.index_cast %swap3A_57 : i32 to index
    %swap3A_59 = arith.constant 96 : index
    %swap3A_60 = tpu.vector_load %arg11[%swap3A_58, %swap3A_59] {strides = array<i32>} : memref<16x128xf32, #tpu.memory_space<vmem>>, vector<16xf32>,
    tpu.vector_store %arg11[%swap3A_58, %swap3A_59], %broadcast_in_dim3A_1 {strides = array<i32>} : memref<16x128xf32, #tpu.memory_space<vmem>>, vector<16xf32>,
    %swap3A_61 = arith.constant 1 : i32
    %swap3A_62 = arith.index_cast %swap3A_61 : i32 to index
    %swap3A_63 = arith.constant 112 : index
    %swap3A_64 = tpu.vector_load %arg11[%swap3A_62, %swap3A_63] {strides = array<i32>} : memref<16x128xf32, #tpu.memory_space<vmem>>, vector<16xf32>,
    tpu.vector_store %arg11[%swap3A_62, %swap3A_63], %broadcast_in_dim3A_1 {strides = array<i32>} : memref<16x128xf32, #tpu.memory_space<vmem>>, vector<16xf32>,
    %swap3A_65 = arith.constant 2 : i32
    %swap3A_66 = arith.index_cast %swap3A_65 : i32 to index
    %swap3A_67 = arith.constant 0 : index
    %swap3A_68 = tpu.vector_load %arg11[%swap3A_66, %swap3A_67] {strides = array<i32>} : memref<16x128xf32, #tpu.memory_space<vmem>>, vector<16xf32>,
    tpu.vector_store %arg11[%swap3A_66, %swap3A_67], %broadcast_in_dim3A_1 {strides = array<i32>} : memref<16x128xf32, #tpu.memory_space<vmem>>, vector<16xf32>,
    %swap3A_69 = arith.constant 2 : i32
    %swap3A_70 = arith.index_cast %swap3A_69 : i32 to index
    %swap3A_71 = arith.constant 16 : index
    %swap3A_72 = tpu.vector_load %arg11[%swap3A_70, %swap3A_71] {strides = array<i32>} : memref<16x128xf32, #tpu.memory_space<vmem>>, vector<16xf32>,
    tpu.vector_store %arg11[%swap3A_70, %swap3A_71], %broadcast_in_dim3A_1 {strides = array<i32>} : memref<16x128xf32, #tpu.memory_space<vmem>>, vector<16xf32>,
    %swap3A_73 = arith.constant 2 : i32
    %swap3A_74 = arith.index_cast %swap3A_73 : i32 to index
    %swap3A_75 = arith.constant 32 : index
    %swap3A_76 = tpu.vector_load %arg11[%swap3A_74, %swap3A_75] {strides = array<i32>} : memref<16x128xf32, #tpu.memory_space<vmem>>, vector<16xf32>,
    tpu.vector_store %arg11[%swap3A_74, %swap3A_75], %broadcast_in_dim3A_1 {strides = array<i32>} : memref<16x128xf32, #tpu.memory_space<vmem>>, vector<16xf32>,
    %swap3A_77 = arith.constant 2 : i32
    %swap3A_78 = arith.index_cast %swap3A_77 : i32 to index
    %swap3A_79 = arith.constant 48 : index
    %swap3A_80 = tpu.vector_load %arg11[%swap3A_78, %swap3A_79] {strides = array<i32>} : memref<16x128xf32, #tpu.memory_space<vmem>>, vector<16xf32>,
    tpu.vector_store %arg11[%swap3A_78, %swap3A_79], %broadcast_in_dim3A_1 {strides = array<i32>} : memref<16x128xf32, #tpu.memory_space<vmem>>, vector<16xf32>,
    %swap3A_81 = arith.constant 2 : i32
    %swap3A_82 = arith.index_cast %swap3A_81 : i32 to index
    %swap3A_83 = arith.constant 64 : index
    %swap3A_84 = tpu.vector_load %arg11[%swap3A_82, %swap3A_83] {strides = array<i32>} : memref<16x128xf32, #tpu.memory_space<vmem>>, vector<16xf32>,
    tpu.vector_store %arg11[%swap3A_82, %swap3A_83], %broadcast_in_dim3A_1 {strides = array<i32>} : memref<16x128xf32, #tpu.memory_space<vmem>>, vector<16xf32>,
    %swap3A_85 = arith.constant 2 : i32
    %swap3A_86 = arith.index_cast %swap3A_85 : i32 to index
    %swap3A_87 = arith.constant 80 : index
    %swap3A_88 = tpu.vector_load %arg11[%swap3A_86, %swap3A_87] {strides = array<i32>} : memref<16x128xf32, #tpu.memory_space<vmem>>, vector<16xf32>,
    tpu.vector_store %arg11[%swap3A_86, %swap3A_87], %broadcast_in_dim3A_1 {strides = array<i32>} : memref<16x128xf32, #tpu.memory_space<vmem>>, vector<16xf32>,
    %swap3A_89 = arith.constant 2 : i32
    %swap3A_90 = arith.index_cast %swap3A_89 : i32 to index
    %swap3A_91 = arith.constant 96 : index
    %swap3A_92 = tpu.vector_load %arg11[%swap3A_90, %swap3A_91] {strides = array<i32>} : memref<16x128xf32, #tpu.memory_space<vmem>>, vector<16xf32>,
    tpu.vector_store %arg11[%swap3A_90, %swap3A_91], %broadcast_in_dim3A_1 {strides = array<i32>} : memref<16x128xf32, #tpu.memory_space<vmem>>, vector<16xf32>,
    %swap3A_93 = arith.constant 2 : i32
    %swap3A_94 = arith.index_cast %swap3A_93 : i32 to index
    %swap3A_95 = arith.constant 112 : index
    %swap3A_96 = tpu.vector_load %arg11[%swap3A_94, %swap3A_95] {strides = array<i32>} : memref<16x128xf32, #tpu.memory_space<vmem>>, vector<16xf32>,
    tpu.vector_store %arg11[%swap3A_94, %swap3A_95], %broadcast_in_dim3A_1 {strides = array<i32>} : memref<16x128xf32, #tpu.memory_space<vmem>>, vector<16xf32>,
    %swap3A_97 = arith.constant 3 : i32
    %swap3A_98 = arith.index_cast %swap3A_97 : i32 to index
    %swap3A_99 = arith.constant 0 : index
    %swap3A_100 = tpu.vector_load %arg11[%swap3A_98, %swap3A_99] {strides = array<i32>} : memref<16x128xf32, #tpu.memory_space<vmem>>, vector<16xf32>,
    tpu.vector_store %arg11[%swap3A_98, %swap3A_99], %broadcast_in_dim3A_1 {strides = array<i32>} : memref<16x128xf32, #tpu.memory_space<vmem>>, vector<16xf32>,
    %swap3A_101 = arith.constant 3 : i32
    %swap3A_102 = arith.index_cast %swap3A_101 : i32 to index
    %swap3A_103 = arith.constant 16 : index
    %swap3A_104 = tpu.vector_load %arg11[%swap3A_102, %swap3A_103] {strides = array<i32>} : memref<16x128xf32, #tpu.memory_space<vmem>>, vector<16xf32>,
    tpu.vector_store %arg11[%swap3A_102, %swap3A_103], %broadcast_in_dim3A_1 {strides = array<i32>} : memref<16x128xf32, #tpu.memory_space<vmem>>, vector<16xf32>,
    %swap3A_105 = arith.constant 3 : i32
    %swap3A_106 = arith.index_cast %swap3A_105 : i32 to index
    %swap3A_107 = arith.constant 32 : index
    %swap3A_108 = tpu.vector_load %arg11[%swap3A_106, %swap3A_107] {strides = array<i32>} : memref<16x128xf32, #tpu.memory_space<vmem>>, vector<16xf32>,
    tpu.vector_store %arg11[%swap3A_106, %swap3A_107], %broadcast_in_dim3A_1 {strides = array<i32>} : memref<16x128xf32, #tpu.memory_space<vmem>>, vector<16xf32>,
    %swap3A_109 = arith.constant 3 : i32
    %swap3A_110 = arith.index_cast %swap3A_109 : i32 to index
    %swap3A_111 = arith.constant 48 : index
    %swap3A_112 = tpu.vector_load %arg11[%swap3A_110, %swap3A_111] {strides = array<i32>} : memref<16x128xf32, #tpu.memory_space<vmem>>, vector<16xf32>,
    tpu.vector_store %arg11[%swap3A_110, %swap3A_111], %broadcast_in_dim3A_1 {strides = array<i32>} : memref<16x128xf32, #tpu.memory_space<vmem>>, vector<16xf32>,
    %swap3A_113 = arith.constant 3 : i32
    %swap3A_114 = arith.index_cast %swap3A_113 : i32 to index
    %swap3A_115 = arith.constant 64 : index
    %swap3A_116 = tpu.vector_load %arg11[%swap3A_114, %swap3A_115] {strides = array<i32>} : memref<16x128xf32, #tpu.memory_space<vmem>>, vector<16xf32>,
    tpu.vector_store %arg11[%swap3A_114, %swap3A_115], %broadcast_in_dim3A_1 {strides = array<i32>} : memref<16x128xf32, #tpu.memory_space<vmem>>, vector<16xf32>,
    %swap3A_117 = arith.constant 3 : i32
    %swap3A_118 = arith.index_cast %swap3A_117 : i32 to index
    %swap3A_119 = arith.constant 80 : index
    %swap3A_120 = tpu.vector_load %arg11[%swap3A_118, %swap3A_119] {strides = array<i32>} : memref<16x128xf32, #tpu.memory_space<vmem>>, vector<16xf32>,
    tpu.vector_store %arg11[%swap3A_118, %swap3A_119], %broadcast_in_dim3A_1 {strides = array<i32>} : memref<16x128xf32, #tpu.memory_space<vmem>>, vector<16xf32>,
    %swap3A_121 = arith.constant 3 : i32
    %swap3A_122 = arith.index_cast %swap3A_121 : i32 to index
    %swap3A_123 = arith.constant 96 : index
    %swap3A_124 = tpu.vector_load %arg11[%swap3A_122, %swap3A_123] {strides = array<i32>} : memref<16x128xf32, #tpu.memory_space<vmem>>, vector<16xf32>,
    tpu.vector_store %arg11[%swap3A_122, %swap3A_123], %broadcast_in_dim3A_1 {strides = array<i32>} : memref<16x128xf32, #tpu.memory_space<vmem>>, vector<16xf32>,
    %swap3A_125 = arith.constant 3 : i32
    %swap3A_126 = arith.index_cast %swap3A_125 : i32 to index
    %swap3A_127 = arith.constant 112 : index
    %swap3A_128 = tpu.vector_load %arg11[%swap3A_126, %swap3A_127] {strides = array<i32>} : memref<16x128xf32, #tpu.memory_space<vmem>>, vector<16xf32>,
    tpu.vector_store %arg11[%swap3A_126, %swap3A_127], %broadcast_in_dim3A_1 {strides = array<i32>} : memref<16x128xf32, #tpu.memory_space<vmem>>, vector<16xf32>,
    %swap3A_129 = arith.constant 4 : i32
    %swap3A_130 = arith.index_cast %swap3A_129 : i32 to index
    %swap3A_131 = arith.constant 0 : index
    %swap3A_132 = tpu.vector_load %arg11[%swap3A_130, %swap3A_131] {strides = array<i32>} : memref<16x128xf32, #tpu.memory_space<vmem>>, vector<16xf32>,
    tpu.vector_store %arg11[%swap3A_130, %swap3A_131], %broadcast_in_dim3A_1 {strides = array<i32>} : memref<16x128xf32, #tpu.memory_space<vmem>>, vector<16xf32>,
    %swap3A_133 = arith.constant 4 : i32
    %swap3A_134 = arith.index_cast %swap3A_133 : i32 to index
    %swap3A_135 = arith.constant 16 : index
    %swap3A_136 = tpu.vector_load %arg11[%swap3A_134, %swap3A_135] {strides = array<i32>} : memref<16x128xf32, #tpu.memory_space<vmem>>, vector<16xf32>,
    tpu.vector_store %arg11[%swap3A_134, %swap3A_135], %broadcast_in_dim3A_1 {strides = array<i32>} : memref<16x128xf32, #tpu.memory_space<vmem>>, vector<16xf32>,
    %swap3A_137 = arith.constant 4 : i32
    %swap3A_138 = arith.index_cast %swap3A_137 : i32 to index
    %swap3A_139 = arith.constant 32 : index
    %swap3A_140 = tpu.vector_load %arg11[%swap3A_138, %swap3A_139] {strides = array<i32>} : memref<16x128xf32, #tpu.memory_space<vmem>>, vector<16xf32>,
    tpu.vector_store %arg11[%swap3A_138, %swap3A_139], %broadcast_in_dim3A_1 {strides = array<i32>} : memref<16x128xf32, #tpu.memory_space<vmem>>, vector<16xf32>,
    %swap3A_141 = arith.constant 4 : i32
    %swap3A_142 = arith.index_cast %swap3A_141 : i32 to index
    %swap3A_143 = arith.constant 48 : index
    %swap3A_144 = tpu.vector_load %arg11[%swap3A_142, %swap3A_143] {strides = array<i32>} : memref<16x128xf32, #tpu.memory_space<vmem>>, vector<16xf32>,
    tpu.vector_store %arg11[%swap3A_142, %swap3A_143], %broadcast_in_dim3A_1 {strides = array<i32>} : memref<16x128xf32, #tpu.memory_space<vmem>>, vector<16xf32>,
    %swap3A_145 = arith.constant 4 : i32
    %swap3A_146 = arith.index_cast %swap3A_145 : i32 to index
    %swap3A_147 = arith.constant 64 : index
    %swap3A_148 = tpu.vector_load %arg11[%swap3A_146, %swap3A_147] {strides = array<i32>} : memref<16x128xf32, #tpu.memory_space<vmem>>, vector<16xf32>,
    tpu.vector_store %arg11[%swap3A_146, %swap3A_147], %broadcast_in_dim3A_1 {strides = array<i32>} : memref<16x128xf32, #tpu.memory_space<vmem>>, vector<16xf32>,
    %swap3A_149 = arith.constant 4 : i32
    %swap3A_150 = arith.index_cast %swap3A_149 : i32 to index
    %swap3A_151 = arith.constant 80 : index
    %swap3A_152 = tpu.vector_load %arg11[%swap3A_150, %swap3A_151] {strides = array<i32>} : memref<16x128xf32, #tpu.memory_space<vmem>>, vector<16xf32>,
    tpu.vector_store %arg11[%swap3A_150, %swap3A_151], %broadcast_in_dim3A_1 {strides = array<i32>} : memref<16x128xf32, #tpu.memory_space<vmem>>, vector<16xf32>,
    %swap3A_153 = arith.constant 4 : i32
    %swap3A_154 = arith.index_cast %swap3A_153 : i32 to index
    %swap3A_155 = arith.constant 96 : index
    %swap3A_156 = tpu.vector_load %arg11[%swap3A_154, %swap3A_155] {strides = array<i32>} : memref<16x128xf32, #tpu.memory_space<vmem>>, vector<16xf32>,
    tpu.vector_store %arg11[%swap3A_154, %swap3A_155], %broadcast_in_dim3A_1 {strides = array<i32>} : memref<16x128xf32, #tpu.memory_space<vmem>>, vector<16xf32>,
    %swap3A_157 = arith.constant 4 : i32
    %swap3A_158 = arith.index_cast %swap3A_157 : i32 to index
    %swap3A_159 = arith.constant 112 : index
    %swap3A_160 = tpu.vector_load %arg11[%swap3A_158, %swap3A_159] {strides = array<i32>} : memref<16x128xf32, #tpu.memory_space<vmem>>, vector<16xf32>,
    tpu.vector_store %arg11[%swap3A_158, %swap3A_159], %broadcast_in_dim3A_1 {strides = array<i32>} : memref<16x128xf32, #tpu.memory_space<vmem>>, vector<16xf32>,
    %swap3A_161 = arith.constant 5 : i32
    %swap3A_162 = arith.index_cast %swap3A_161 : i32 to index
    %swap3A_163 = arith.constant 0 : index
    %swap3A_164 = tpu.vector_load %arg11[%swap3A_162, %swap3A_163] {strides = array<i32>} : memref<16x128xf32, #tpu.memory_space<vmem>>, vector<16xf32>,
    tpu.vector_store %arg11[%swap3A_162, %swap3A_163], %broadcast_in_dim3A_1 {strides = array<i32>} : memref<16x128xf32, #tpu.memory_space<vmem>>, vector<16xf32>,
    %swap3A_165 = arith.constant 5 : i32
    %swap3A_166 = arith.index_cast %swap3A_165 : i32 to index
    %swap3A_167 = arith.constant 16 : index
    %swap3A_168 = tpu.vector_load %arg11[%swap3A_166, %swap3A_167] {strides = array<i32>} : memref<16x128xf32, #tpu.memory_space<vmem>>, vector<16xf32>,
    tpu.vector_store %arg11[%swap3A_166, %swap3A_167], %broadcast_in_dim3A_1 {strides = array<i32>} : memref<16x128xf32, #tpu.memory_space<vmem>>, vector<16xf32>,
    %swap3A_169 = arith.constant 5 : i32
    %swap3A_170 = arith.index_cast %swap3A_169 : i32 to index
    %swap3A_171 = arith.constant 32 : index
    %swap3A_172 = tpu.vector_load %arg11[%swap3A_170, %swap3A_171] {strides = array<i32>} : memref<16x128xf32, #tpu.memory_space<vmem>>, vector<16xf32>,
    tpu.vector_store %arg11[%swap3A_170, %swap3A_171], %broadcast_in_dim3A_1 {strides = array<i32>} : memref<16x128xf32, #tpu.memory_space<vmem>>, vector<16xf32>,
    %swap3A_173 = arith.constant 5 : i32
    %swap3A_174 = arith.index_cast %swap3A_173 : i32 to index
    %swap3A_175 = arith.constant 48 : index
    %swap3A_176 = tpu.vector_load %arg11[%swap3A_174, %swap3A_175] {strides = array<i32>} : memref<16x128xf32, #tpu.memory_space<vmem>>, vector<16xf32>,
    tpu.vector_store %arg11[%swap3A_174, %swap3A_175], %broadcast_in_dim3A_1 {strides = array<i32>} : memref<16x128xf32, #tpu.memory_space<vmem>>, vector<16xf32>,
    %swap3A_177 = arith.constant 5 : i32
    %swap3A_178 = arith.index_cast %swap3A_177 : i32 to index
    %swap3A_179 = arith.constant 64 : index
    %swap3A_180 = tpu.vector_load %arg11[%swap3A_178, %swap3A_179] {strides = array<i32>} : memref<16x128xf32, #tpu.memory_space<vmem>>, vector<16xf32>,
    tpu.vector_store %arg11[%swap3A_178, %swap3A_179], %broadcast_in_dim3A_1 {strides = array<i32>} : memref<16x128xf32, #tpu.memory_space<vmem>>, vector<16xf32>,
    %swap3A_181 = arith.constant 5 : i32
    %swap3A_182 = arith.index_cast %swap3A_181 : i32 to index
    %swap3A_183 = arith.constant 80 : index
    %swap3A_184 = tpu.vector_load %arg11[%swap3A_182, %swap3A_183] {strides = array<i32>} : memref<16x128xf32, #tpu.memory_space<vmem>>, vector<16xf32>,
    tpu.vector_store %arg11[%swap3A_182, %swap3A_183], %broadcast_in_dim3A_1 {strides = array<i32>} : memref<16x128xf32, #tpu.memory_space<vmem>>, vector<16xf32>,
    %swap3A_185 = arith.constant 5 : i32
    %swap3A_186 = arith.index_cast %swap3A_185 : i32 to index
    %swap3A_187 = arith.constant 96 : index
    %swap3A_188 = tpu.vector_load %arg11[%swap3A_186, %swap3A_187] {strides = array<i32>} : memref<16x128xf32, #tpu.memory_space<vmem>>, vector<16xf32>,
    tpu.vector_store %arg11[%swap3A_186, %swap3A_187], %broadcast_in_dim3A_1 {strides = array<i32>} : memref<16x128xf32, #tpu.memory_space<vmem>>, vector<16xf32>,
    %swap3A_189 = arith.constant 5 : i32
    %swap3A_190 = arith.index_cast %swap3A_189 : i32 to index
    %swap3A_191 = arith.constant 112 : index
    %swap3A_192 = tpu.vector_load %arg11[%swap3A_190, %swap3A_191] {strides = array<i32>} : memref<16x128xf32, #tpu.memory_space<vmem>>, vector<16xf32>,
    tpu.vector_store %arg11[%swap3A_190, %swap3A_191], %broadcast_in_dim3A_1 {strides = array<i32>} : memref<16x128xf32, #tpu.memory_space<vmem>>, vector<16xf32>,
    %swap3A_193 = arith.constant 6 : i32
    %swap3A_194 = arith.index_cast %swap3A_193 : i32 to index
    %swap3A_195 = arith.constant 0 : index
    %swap3A_196 = tpu.vector_load %arg11[%swap3A_194, %swap3A_195] {strides = array<i32>} : memref<16x128xf32, #tpu.memory_space<vmem>>, vector<16xf32>,
    tpu.vector_store %arg11[%swap3A_194, %swap3A_195], %broadcast_in_dim3A_1 {strides = array<i32>} : memref<16x128xf32, #tpu.memory_space<vmem>>, vector<16xf32>,
    %swap3A_197 = arith.constant 6 : i32
    %swap3A_198 = arith.index_cast %swap3A_197 : i32 to index
    %swap3A_199 = arith.constant 16 : index
    %swap3A_200 = tpu.vector_load %arg11[%swap3A_198, %swap3A_199] {strides = array<i32>} : memref<16x128xf32, #tpu.memory_space<vmem>>, vector<16xf32>,
    tpu.vector_store %arg11[%swap3A_198, %swap3A_199], %broadcast_in_dim3A_1 {strides = array<i32>} : memref<16x128xf32, #tpu.memory_space<vmem>>, vector<16xf32>,
    %swap3A_201 = arith.constant 6 : i32
    %swap3A_202 = arith.index_cast %swap3A_201 : i32 to index
    %swap3A_203 = arith.constant 32 : index
    %swap3A_204 = tpu.vector_load %arg11[%swap3A_202, %swap3A_203] {strides = array<i32>} : memref<16x128xf32, #tpu.memory_space<vmem>>, vector<16xf32>,
    tpu.vector_store %arg11[%swap3A_202, %swap3A_203], %broadcast_in_dim3A_1 {strides = array<i32>} : memref<16x128xf32, #tpu.memory_space<vmem>>, vector<16xf32>,
    %swap3A_205 = arith.constant 6 : i32
    %swap3A_206 = arith.index_cast %swap3A_205 : i32 to index
    %swap3A_207 = arith.constant 48 : index
    %swap3A_208 = tpu.vector_load %arg11[%swap3A_206, %swap3A_207] {strides = array<i32>} : memref<16x128xf32, #tpu.memory_space<vmem>>, vector<16xf32>,
    tpu.vector_store %arg11[%swap3A_206, %swap3A_207], %broadcast_in_dim3A_1 {strides = array<i32>} : memref<16x128xf32, #tpu.memory_space<vmem>>, vector<16xf32>,
    %swap3A_209 = arith.constant 6 : i32
    %swap3A_210 = arith.index_cast %swap3A_209 : i32 to index
    %swap3A_211 = arith.constant 64 : index
    %swap3A_212 = tpu.vector_load %arg11[%swap3A_210, %swap3A_211] {strides = array<i32>} : memref<16x128xf32, #tpu.memory_space<vmem>>, vector<16xf32>,
    tpu.vector_store %arg11[%swap3A_210, %swap3A_211], %broadcast_in_dim3A_1 {strides = array<i32>} : memref<16x128xf32, #tpu.memory_space<vmem>>, vector<16xf32>,
    %swap3A_213 = arith.constant 6 : i32
    %swap3A_214 = arith.index_cast %swap3A_213 : i32 to index
    %swap3A_215 = arith.constant 80 : index
    %swap3A_216 = tpu.vector_load %arg11[%swap3A_214, %swap3A_215] {strides = array<i32>} : memref<16x128xf32, #tpu.memory_space<vmem>>, vector<16xf32>,
    tpu.vector_store %arg11[%swap3A_214, %swap3A_215], %broadcast_in_dim3A_1 {strides = array<i32>} : memref<16x128xf32, #tpu.memory_space<vmem>>, vector<16xf32>,
    %swap3A_217 = arith.constant 6 : i32
    %swap3A_218 = arith.index_cast %swap3A_217 : i32 to index
    %swap3A_219 = arith.constant 96 : index
    %swap3A_220 = tpu.vector_load %arg11[%swap3A_218, %swap3A_219] {strides = array<i32>} : memref<16x128xf32, #tpu.memory_space<vmem>>, vector<16xf32>,
    tpu.vector_store %arg11[%swap3A_218, %swap3A_219], %broadcast_in_dim3A_1 {strides = array<i32>} : memref<16x128xf32, #tpu.memory_space<vmem>>, vector<16xf32>,
    %swap3A_221 = arith.constant 6 : i32
    %swap3A_222 = arith.index_cast %swap3A_221 : i32 to index
    %swap3A_223 = arith.constant 112 : index
    %swap3A_224 = tpu.vector_load %arg11[%swap3A_222, %swap3A_223] {strides = array<i32>} : memref<16x128xf32, #tpu.memory_space<vmem>>, vector<16xf32>,
    tpu.vector_store %arg11[%swap3A_222, %swap3A_223], %broadcast_in_dim3A_1 {strides = array<i32>} : memref<16x128xf32, #tpu.memory_space<vmem>>, vector<16xf32>,
    %swap3A_225 = arith.constant 7 : i32
    %swap3A_226 = arith.index_cast %swap3A_225 : i32 to index
    %swap3A_227 = arith.constant 0 : index
    %swap3A_228 = tpu.vector_load %arg11[%swap3A_226, %swap3A_227] {strides = array<i32>} : memref<16x128xf32, #tpu.memory_space<vmem>>, vector<16xf32>,
    tpu.vector_store %arg11[%swap3A_226, %swap3A_227], %broadcast_in_dim3A_1 {strides = array<i32>} : memref<16x128xf32, #tpu.memory_space<vmem>>, vector<16xf32>,
    %swap3A_229 = arith.constant 7 : i32
    %swap3A_230 = arith.index_cast %swap3A_229 : i32 to index
    %swap3A_231 = arith.constant 16 : index
    %swap3A_232 = tpu.vector_load %arg11[%swap3A_230, %swap3A_231] {strides = array<i32>} : memref<16x128xf32, #tpu.memory_space<vmem>>, vector<16xf32>,
    tpu.vector_store %arg11[%swap3A_230, %swap3A_231], %broadcast_in_dim3A_1 {strides = array<i32>} : memref<16x128xf32, #tpu.memory_space<vmem>>, vector<16xf32>,
    %swap3A_233 = arith.constant 7 : i32
    %swap3A_234 = arith.index_cast %swap3A_233 : i32 to index
    %swap3A_235 = arith.constant 32 : index
    %swap3A_236 = tpu.vector_load %arg11[%swap3A_234, %swap3A_235] {strides = array<i32>} : memref<16x128xf32, #tpu.memory_space<vmem>>, vector<16xf32>,
    tpu.vector_store %arg11[%swap3A_234, %swap3A_235], %broadcast_in_dim3A_1 {strides = array<i32>} : memref<16x128xf32, #tpu.memory_space<vmem>>, vector<16xf32>,
    %swap3A_237 = arith.constant 7 : i32
    %swap3A_238 = arith.index_cast %swap3A_237 : i32 to index
    %swap3A_239 = arith.constant 48 : index
    %swap3A_240 = tpu.vector_load %arg11[%swap3A_238, %swap3A_239] {strides = array<i32>} : memref<16x128xf32, #tpu.memory_space<vmem>>, vector<16xf32>,
    tpu.vector_store %arg11[%swap3A_238, %swap3A_239], %broadcast_in_dim3A_1 {strides = array<i32>} : memref<16x128xf32, #tpu.memory_space<vmem>>, vector<16xf32>,
    %swap3A_241 = arith.constant 7 : i32
    %swap3A_242 = arith.index_cast %swap3A_241 : i32 to index
    %swap3A_243 = arith.constant 64 : index
    %swap3A_244 = tpu.vector_load %arg11[%swap3A_242, %swap3A_243] {strides = array<i32>} : memref<16x128xf32, #tpu.memory_space<vmem>>, vector<16xf32>,
    tpu.vector_store %arg11[%swap3A_242, %swap3A_243], %broadcast_in_dim3A_1 {strides = array<i32>} : memref<16x128xf32, #tpu.memory_space<vmem>>, vector<16xf32>,
    %swap3A_245 = arith.constant 7 : i32
    %swap3A_246 = arith.index_cast %swap3A_245 : i32 to index
    %swap3A_247 = arith.constant 80 : index
    %swap3A_248 = tpu.vector_load %arg11[%swap3A_246, %swap3A_247] {strides = array<i32>} : memref<16x128xf32, #tpu.memory_space<vmem>>, vector<16xf32>,
    tpu.vector_store %arg11[%swap3A_246, %swap3A_247], %broadcast_in_dim3A_1 {strides = array<i32>} : memref<16x128xf32, #tpu.memory_space<vmem>>, vector<16xf32>,
    %swap3A_249 = arith.constant 7 : i32
    %swap3A_250 = arith.index_cast %swap3A_249 : i32 to index
    %swap3A_251 = arith.constant 96 : index
    %swap3A_252 = tpu.vector_load %arg11[%swap3A_250, %swap3A_251] {strides = array<i32>} : memref<16x128xf32, #tpu.memory_space<vmem>>, vector<16xf32>,
    tpu.vector_store %arg11[%swap3A_250, %swap3A_251], %broadcast_in_dim3A_1 {strides = array<i32>} : memref<16x128xf32, #tpu.memory_space<vmem>>, vector<16xf32>,
    %swap3A_253 = arith.constant 7 : i32
    %swap3A_254 = arith.index_cast %swap3A_253 : i32 to index
    %swap3A_255 = arith.constant 112 : index
    %swap3A_256 = tpu.vector_load %arg11[%swap3A_254, %swap3A_255] {strides = array<i32>} : memref<16x128xf32, #tpu.memory_space<vmem>>, vector<16xf32>,
    tpu.vector_store %arg11[%swap3A_254, %swap3A_255], %broadcast_in_dim3A_1 {strides = array<i32>} : memref<16x128xf32, #tpu.memory_space<vmem>>, vector<16xf32>,
    %swap3A_257 = arith.constant 8 : i32
    %swap3A_258 = arith.index_cast %swap3A_257 : i32 to index
    %swap3A_259 = arith.constant 0 : index
    %swap3A_260 = tpu.vector_load %arg11[%swap3A_258, %swap3A_259] {strides = array<i32>} : memref<16x128xf32, #tpu.memory_space<vmem>>, vector<16xf32>,
    tpu.vector_store %arg11[%swap3A_258, %swap3A_259], %broadcast_in_dim3A_1 {strides = array<i32>} : memref<16x128xf32, #tpu.memory_space<vmem>>, vector<16xf32>,
    %swap3A_261 = arith.constant 8 : i32
    %swap3A_262 = arith.index_cast %swap3A_261 : i32 to index
    %swap3A_263 = arith.constant 16 : index
    %swap3A_264 = tpu.vector_load %arg11[%swap3A_262, %swap3A_263] {strides = array<i32>} : memref<16x128xf32, #tpu.memory_space<vmem>>, vector<16xf32>,
    tpu.vector_store %arg11[%swap3A_262, %swap3A_263], %broadcast_in_dim3A_1 {strides = array<i32>} : memref<16x128xf32, #tpu.memory_space<vmem>>, vector<16xf32>,
    %swap3A_265 = arith.constant 8 : i32
    %swap3A_266 = arith.index_cast %swap3A_265 : i32 to index
    %swap3A_267 = arith.constant 32 : index
    %swap3A_268 = tpu.vector_load %arg11[%swap3A_266, %swap3A_267] {strides = array<i32>} : memref<16x128xf32, #tpu.memory_space<vmem>>, vector<16xf32>,
    tpu.vector_store %arg11[%swap3A_266, %swap3A_267], %broadcast_in_dim3A_1 {strides = array<i32>} : memref<16x128xf32, #tpu.memory_space<vmem>>, vector<16xf32>,
    %swap3A_269 = arith.constant 8 : i32
    %swap3A_270 = arith.index_cast %swap3A_269 : i32 to index
    %swap3A_271 = arith.constant 48 : index
    %swap3A_272 = tpu.vector_load %arg11[%swap3A_270, %swap3A_271] {strides = array<i32>} : memref<16x128xf32, #tpu.memory_space<vmem>>, vector<16xf32>,
    tpu.vector_store %arg11[%swap3A_270, %swap3A_271], %broadcast_in_dim3A_1 {strides = array<i32>} : memref<16x128xf32, #tpu.memory_space<vmem>>, vector<16xf32>,
    %swap3A_273 = arith.constant 8 : i32
    %swap3A_274 = arith.index_cast %swap3A_273 : i32 to index
    %swap3A_275 = arith.constant 64 : index
    %swap3A_276 = tpu.vector_load %arg11[%swap3A_274, %swap3A_275] {strides = array<i32>} : memref<16x128xf32, #tpu.memory_space<vmem>>, vector<16xf32>,
    tpu.vector_store %arg11[%swap3A_274, %swap3A_275], %broadcast_in_dim3A_1 {strides = array<i32>} : memref<16x128xf32, #tpu.memory_space<vmem>>, vector<16xf32>,
    %swap3A_277 = arith.constant 8 : i32
    %swap3A_278 = arith.index_cast %swap3A_277 : i32 to index
    %swap3A_279 = arith.constant 80 : index
    %swap3A_280 = tpu.vector_load %arg11[%swap3A_278, %swap3A_279] {strides = array<i32>} : memref<16x128xf32, #tpu.memory_space<vmem>>, vector<16xf32>,
    tpu.vector_store %arg11[%swap3A_278, %swap3A_279], %broadcast_in_dim3A_1 {strides = array<i32>} : memref<16x128xf32, #tpu.memory_space<vmem>>, vector<16xf32>,
    %swap3A_281 = arith.constant 8 : i32
    %swap3A_282 = arith.index_cast %swap3A_281 : i32 to index
    %swap3A_283 = arith.constant 96 : index
    %swap3A_284 = tpu.vector_load %arg11[%swap3A_282, %swap3A_283] {strides = array<i32>} : memref<16x128xf32, #tpu.memory_space<vmem>>, vector<16xf32>,
    tpu.vector_store %arg11[%swap3A_282, %swap3A_283], %broadcast_in_dim3A_1 {strides = array<i32>} : memref<16x128xf32, #tpu.memory_space<vmem>>, vector<16xf32>,
    %swap3A_285 = arith.constant 8 : i32
    %swap3A_286 = arith.index_cast %swap3A_285 : i32 to index
    %swap3A_287 = arith.constant 112 : index
    %swap3A_288 = tpu.vector_load %arg11[%swap3A_286, %swap3A_287] {strides = array<i32>} : memref<16x128xf32, #tpu.memory_space<vmem>>, vector<16xf32>,
    tpu.vector_store %arg11[%swap3A_286, %swap3A_287], %broadcast_in_dim3A_1 {strides = array<i32>} : memref<16x128xf32, #tpu.memory_space<vmem>>, vector<16xf32>,
    %swap3A_289 = arith.constant 9 : i32
    %swap3A_290 = arith.index_cast %swap3A_289 : i32 to index
    %swap3A_291 = arith.constant 0 : index
    %swap3A_292 = tpu.vector_load %arg11[%swap3A_290, %swap3A_291] {strides = array<i32>} : memref<16x128xf32, #tpu.memory_space<vmem>>, vector<16xf32>,
    tpu.vector_store %arg11[%swap3A_290, %swap3A_291], %broadcast_in_dim3A_1 {strides = array<i32>} : memref<16x128xf32, #tpu.memory_space<vmem>>, vector<16xf32>,
    %swap3A_293 = arith.constant 9 : i32
    %swap3A_294 = arith.index_cast %swap3A_293 : i32 to index
    %swap3A_295 = arith.constant 16 : index
    %swap3A_296 = tpu.vector_load %arg11[%swap3A_294, %swap3A_295] {strides = array<i32>} : memref<16x128xf32, #tpu.memory_space<vmem>>, vector<16xf32>,
    tpu.vector_store %arg11[%swap3A_294, %swap3A_295], %broadcast_in_dim3A_1 {strides = array<i32>} : memref<16x128xf32, #tpu.memory_space<vmem>>, vector<16xf32>,
    %swap3A_297 = arith.constant 9 : i32
    %swap3A_298 = arith.index_cast %swap3A_297 : i32 to index
    %swap3A_299 = arith.constant 32 : index
    %swap3A_300 = tpu.vector_load %arg11[%swap3A_298, %swap3A_299] {strides = array<i32>} : memref<16x128xf32, #tpu.memory_space<vmem>>, vector<16xf32>,
    tpu.vector_store %arg11[%swap3A_298, %swap3A_299], %broadcast_in_dim3A_1 {strides = array<i32>} : memref<16x128xf32, #tpu.memory_space<vmem>>, vector<16xf32>,
    %swap3A_301 = arith.constant 9 : i32
    %swap3A_302 = arith.index_cast %swap3A_301 : i32 to index
    %swap3A_303 = arith.constant 48 : index
    %swap3A_304 = tpu.vector_load %arg11[%swap3A_302, %swap3A_303] {strides = array<i32>} : memref<16x128xf32, #tpu.memory_space<vmem>>, vector<16xf32>,
    tpu.vector_store %arg11[%swap3A_302, %swap3A_303], %broadcast_in_dim3A_1 {strides = array<i32>} : memref<16x128xf32, #tpu.memory_space<vmem>>, vector<16xf32>,
    %swap3A_305 = arith.constant 9 : i32
    %swap3A_306 = arith.index_cast %swap3A_305 : i32 to index
    %swap3A_307 = arith.constant 64 : index
    %swap3A_308 = tpu.vector_load %arg11[%swap3A_306, %swap3A_307] {strides = array<i32>} : memref<16x128xf32, #tpu.memory_space<vmem>>, vector<16xf32>,
    tpu.vector_store %arg11[%swap3A_306, %swap3A_307], %broadcast_in_dim3A_1 {strides = array<i32>} : memref<16x128xf32, #tpu.memory_space<vmem>>, vector<16xf32>,
    %swap3A_309 = arith.constant 9 : i32
    %swap3A_310 = arith.index_cast %swap3A_309 : i32 to index
    %swap3A_311 = arith.constant 80 : index
    %swap3A_312 = tpu.vector_load %arg11[%swap3A_310, %swap3A_311] {strides = array<i32>} : memref<16x128xf32, #tpu.memory_space<vmem>>, vector<16xf32>,
    tpu.vector_store %arg11[%swap3A_310, %swap3A_311], %broadcast_in_dim3A_1 {strides = array<i32>} : memref<16x128xf32, #tpu.memory_space<vmem>>, vector<16xf32>,
    %swap3A_313 = arith.constant 9 : i32
    %swap3A_314 = arith.index_cast %swap3A_313 : i32 to index
    %swap3A_315 = arith.constant 96 : index
    %swap3A_316 = tpu.vector_load %arg11[%swap3A_314, %swap3A_315] {strides = array<i32>} : memref<16x128xf32, #tpu.memory_space<vmem>>, vector<16xf32>,
    tpu.vector_store %arg11[%swap3A_314, %swap3A_315], %broadcast_in_dim3A_1 {strides = array<i32>} : memref<16x128xf32, #tpu.memory_space<vmem>>, vector<16xf32>,
    %swap3A_317 = arith.constant 9 : i32
    %swap3A_318 = arith.index_cast %swap3A_317 : i32 to index
    %swap3A_319 = arith.constant 112 : index
    %swap3A_320 = tpu.vector_load %arg11[%swap3A_318, %swap3A_319] {strides = array<i32>} : memref<16x128xf32, #tpu.memory_space<vmem>>, vector<16xf32>,
    tpu.vector_store %arg11[%swap3A_318, %swap3A_319], %broadcast_in_dim3A_1 {strides = array<i32>} : memref<16x128xf32, #tpu.memory_space<vmem>>, vector<16xf32>,
    %swap3A_321 = arith.constant 10 : i32
    %swap3A_322 = arith.index_cast %swap3A_321 : i32 to index
    %swap3A_323 = arith.constant 0 : index
    %swap3A_324 = tpu.vector_load %arg11[%swap3A_322, %swap3A_323] {strides = array<i32>} : memref<16x128xf32, #tpu.memory_space<vmem>>, vector<16xf32>,
    tpu.vector_store %arg11[%swap3A_322, %swap3A_323], %broadcast_in_dim3A_1 {strides = array<i32>} : memref<16x128xf32, #tpu.memory_space<vmem>>, vector<16xf32>,
    %swap3A_325 = arith.constant 10 : i32
    %swap3A_326 = arith.index_cast %swap3A_325 : i32 to index
    %swap3A_327 = arith.constant 16 : index
    %swap3A_328 = tpu.vector_load %arg11[%swap3A_326, %swap3A_327] {strides = array<i32>} : memref<16x128xf32, #tpu.memory_space<vmem>>, vector<16xf32>,
    tpu.vector_store %arg11[%swap3A_326, %swap3A_327], %broadcast_in_dim3A_1 {strides = array<i32>} : memref<16x128xf32, #tpu.memory_space<vmem>>, vector<16xf32>,
    %swap3A_329 = arith.constant 10 : i32
    %swap3A_330 = arith.index_cast %swap3A_329 : i32 to index
    %swap3A_331 = arith.constant 32 : index
    %swap3A_332 = tpu.vector_load %arg11[%swap3A_330, %swap3A_331] {strides = array<i32>} : memref<16x128xf32, #tpu.memory_space<vmem>>, vector<16xf32>,
    tpu.vector_store %arg11[%swap3A_330, %swap3A_331], %broadcast_in_dim3A_1 {strides = array<i32>} : memref<16x128xf32, #tpu.memory_space<vmem>>, vector<16xf32>,
    %swap3A_333 = arith.constant 10 : i32
    %swap3A_334 = arith.index_cast %swap3A_333 : i32 to index
    %swap3A_335 = arith.constant 48 : index
    %swap3A_336 = tpu.vector_load %arg11[%swap3A_334, %swap3A_335] {strides = array<i32>} : memref<16x128xf32, #tpu.memory_space<vmem>>, vector<16xf32>,
    tpu.vector_store %arg11[%swap3A_334, %swap3A_335], %broadcast_in_dim3A_1 {strides = array<i32>} : memref<16x128xf32, #tpu.memory_space<vmem>>, vector<16xf32>,
    %swap3A_337 = arith.constant 10 : i32
    %swap3A_338 = arith.index_cast %swap3A_337 : i32 to index
    %swap3A_339 = arith.constant 64 : index
    %swap3A_340 = tpu.vector_load %arg11[%swap3A_338, %swap3A_339] {strides = array<i32>} : memref<16x128xf32, #tpu.memory_space<vmem>>, vector<16xf32>,
    tpu.vector_store %arg11[%swap3A_338, %swap3A_339], %broadcast_in_dim3A_1 {strides = array<i32>} : memref<16x128xf32, #tpu.memory_space<vmem>>, vector<16xf32>,
    %swap3A_341 = arith.constant 10 : i32
    %swap3A_342 = arith.index_cast %swap3A_341 : i32 to index
    %swap3A_343 = arith.constant 80 : index
    %swap3A_344 = tpu.vector_load %arg11[%swap3A_342, %swap3A_343] {strides = array<i32>} : memref<16x128xf32, #tpu.memory_space<vmem>>, vector<16xf32>,
    tpu.vector_store %arg11[%swap3A_342, %swap3A_343], %broadcast_in_dim3A_1 {strides = array<i32>} : memref<16x128xf32, #tpu.memory_space<vmem>>, vector<16xf32>,
    %swap3A_345 = arith.constant 10 : i32
    %swap3A_346 = arith.index_cast %swap3A_345 : i32 to index
    %swap3A_347 = arith.constant 96 : index
    %swap3A_348 = tpu.vector_load %arg11[%swap3A_346, %swap3A_347] {strides = array<i32>} : memref<16x128xf32, #tpu.memory_space<vmem>>, vector<16xf32>,
    tpu.vector_store %arg11[%swap3A_346, %swap3A_347], %broadcast_in_dim3A_1 {strides = array<i32>} : memref<16x128xf32, #tpu.memory_space<vmem>>, vector<16xf32>,
    %swap3A_349 = arith.constant 10 : i32
    %swap3A_350 = arith.index_cast %swap3A_349 : i32 to index
    %swap3A_351 = arith.constant 112 : index
    %swap3A_352 = tpu.vector_load %arg11[%swap3A_350, %swap3A_351] {strides = array<i32>} : memref<16x128xf32, #tpu.memory_space<vmem>>, vector<16xf32>,
    tpu.vector_store %arg11[%swap3A_350, %swap3A_351], %broadcast_in_dim3A_1 {strides = array<i32>} : memref<16x128xf32, #tpu.memory_space<vmem>>, vector<16xf32>,
    %swap3A_353 = arith.constant 11 : i32
    %swap3A_354 = arith.index_cast %swap3A_353 : i32 to index
    %swap3A_355 = arith.constant 0 : index
    %swap3A_356 = tpu.vector_load %arg11[%swap3A_354, %swap3A_355] {strides = array<i32>} : memref<16x128xf32, #tpu.memory_space<vmem>>, vector<16xf32>,
    tpu.vector_store %arg11[%swap3A_354, %swap3A_355], %broadcast_in_dim3A_1 {strides = array<i32>} : memref<16x128xf32, #tpu.memory_space<vmem>>, vector<16xf32>,
    %swap3A_357 = arith.constant 11 : i32
    %swap3A_358 = arith.index_cast %swap3A_357 : i32 to index
    %swap3A_359 = arith.constant 16 : index
    %swap3A_360 = tpu.vector_load %arg11[%swap3A_358, %swap3A_359] {strides = array<i32>} : memref<16x128xf32, #tpu.memory_space<vmem>>, vector<16xf32>,
    tpu.vector_store %arg11[%swap3A_358, %swap3A_359], %broadcast_in_dim3A_1 {strides = array<i32>} : memref<16x128xf32, #tpu.memory_space<vmem>>, vector<16xf32>,
    %swap3A_361 = arith.constant 11 : i32
    %swap3A_362 = arith.index_cast %swap3A_361 : i32 to index
    %swap3A_363 = arith.constant 32 : index
    %swap3A_364 = tpu.vector_load %arg11[%swap3A_362, %swap3A_363] {strides = array<i32>} : memref<16x128xf32, #tpu.memory_space<vmem>>, vector<16xf32>,
    tpu.vector_store %arg11[%swap3A_362, %swap3A_363], %broadcast_in_dim3A_1 {strides = array<i32>} : memref<16x128xf32, #tpu.memory_space<vmem>>, vector<16xf32>,
    %swap3A_365 = arith.constant 11 : i32
    %swap3A_366 = arith.index_cast %swap3A_365 : i32 to index
    %swap3A_367 = arith.constant 48 : index
    %swap3A_368 = tpu.vector_load %arg11[%swap3A_366, %swap3A_367] {strides = array<i32>} : memref<16x128xf32, #tpu.memory_space<vmem>>, vector<16xf32>,
    tpu.vector_store %arg11[%swap3A_366, %swap3A_367], %broadcast_in_dim3A_1 {strides = array<i32>} : memref<16x128xf32, #tpu.memory_space<vmem>>, vector<16xf32>,
    %swap3A_369 = arith.constant 11 : i32
    %swap3A_370 = arith.index_cast %swap3A_369 : i32 to index
    %swap3A_371 = arith.constant 64 : index
    %swap3A_372 = tpu.vector_load %arg11[%swap3A_370, %swap3A_371] {strides = array<i32>} : memref<16x128xf32, #tpu.memory_space<vmem>>, vector<16xf32>,
    tpu.vector_store %arg11[%swap3A_370, %swap3A_371], %broadcast_in_dim3A_1 {strides = array<i32>} : memref<16x128xf32, #tpu.memory_space<vmem>>, vector<16xf32>,
    %swap3A_373 = arith.constant 11 : i32
    %swap3A_374 = arith.index_cast %swap3A_373 : i32 to index
    %swap3A_375 = arith.constant 80 : index
    %swap3A_376 = tpu.vector_load %arg11[%swap3A_374, %swap3A_375] {strides = array<i32>} : memref<16x128xf32, #tpu.memory_space<vmem>>, vector<16xf32>,
    tpu.vector_store %arg11[%swap3A_374, %swap3A_375], %broadcast_in_dim3A_1 {strides = array<i32>} : memref<16x128xf32, #tpu.memory_space<vmem>>, vector<16xf32>,
    %swap3A_377 = arith.constant 11 : i32
    %swap3A_378 = arith.index_cast %swap3A_377 : i32 to index
    %swap3A_379 = arith.constant 96 : index
    %swap3A_380 = tpu.vector_load %arg11[%swap3A_378, %swap3A_379] {strides = array<i32>} : memref<16x128xf32, #tpu.memory_space<vmem>>, vector<16xf32>,
    tpu.vector_store %arg11[%swap3A_378, %swap3A_379], %broadcast_in_dim3A_1 {strides = array<i32>} : memref<16x128xf32, #tpu.memory_space<vmem>>, vector<16xf32>,
    %swap3A_381 = arith.constant 11 : i32
    %swap3A_382 = arith.index_cast %swap3A_381 : i32 to index
    %swap3A_383 = arith.constant 112 : index
    %swap3A_384 = tpu.vector_load %arg11[%swap3A_382, %swap3A_383] {strides = array<i32>} : memref<16x128xf32, #tpu.memory_space<vmem>>, vector<16xf32>,
    tpu.vector_store %arg11[%swap3A_382, %swap3A_383], %broadcast_in_dim3A_1 {strides = array<i32>} : memref<16x128xf32, #tpu.memory_space<vmem>>, vector<16xf32>,
    %swap3A_385 = arith.constant 12 : i32
    %swap3A_386 = arith.index_cast %swap3A_385 : i32 to index
    %swap3A_387 = arith.constant 0 : index
    %swap3A_388 = tpu.vector_load %arg11[%swap3A_386, %swap3A_387] {strides = array<i32>} : memref<16x128xf32, #tpu.memory_space<vmem>>, vector<16xf32>,
    tpu.vector_store %arg11[%swap3A_386, %swap3A_387], %broadcast_in_dim3A_1 {strides = array<i32>} : memref<16x128xf32, #tpu.memory_space<vmem>>, vector<16xf32>,
    %swap3A_389 = arith.constant 12 : i32
    %swap3A_390 = arith.index_cast %swap3A_389 : i32 to index
    %swap3A_391 = arith.constant 16 : index
    %swap3A_392 = tpu.vector_load %arg11[%swap3A_390, %swap3A_391] {strides = array<i32>} : memref<16x128xf32, #tpu.memory_space<vmem>>, vector<16xf32>,
    tpu.vector_store %arg11[%swap3A_390, %swap3A_391], %broadcast_in_dim3A_1 {strides = array<i32>} : memref<16x128xf32, #tpu.memory_space<vmem>>, vector<16xf32>,
    %swap3A_393 = arith.constant 12 : i32
    %swap3A_394 = arith.index_cast %swap3A_393 : i32 to index
    %swap3A_395 = arith.constant 32 : index
    %swap3A_396 = tpu.vector_load %arg11[%swap3A_394, %swap3A_395] {strides = array<i32>} : memref<16x128xf32, #tpu.memory_space<vmem>>, vector<16xf32>,
    tpu.vector_store %arg11[%swap3A_394, %swap3A_395], %broadcast_in_dim3A_1 {strides = array<i32>} : memref<16x128xf32, #tpu.memory_space<vmem>>, vector<16xf32>,
    %swap3A_397 = arith.constant 12 : i32
    %swap3A_398 = arith.index_cast %swap3A_397 : i32 to index
    %swap3A_399 = arith.constant 48 : index
    %swap3A_400 = tpu.vector_load %arg11[%swap3A_398, %swap3A_399] {strides = array<i32>} : memref<16x128xf32, #tpu.memory_space<vmem>>, vector<16xf32>,
    tpu.vector_store %arg11[%swap3A_398, %swap3A_399], %broadcast_in_dim3A_1 {strides = array<i32>} : memref<16x128xf32, #tpu.memory_space<vmem>>, vector<16xf32>,
    %swap3A_401 = arith.constant 12 : i32
    %swap3A_402 = arith.index_cast %swap3A_401 : i32 to index
    %swap3A_403 = arith.constant 64 : index
    %swap3A_404 = tpu.vector_load %arg11[%swap3A_402, %swap3A_403] {strides = array<i32>} : memref<16x128xf32, #tpu.memory_space<vmem>>, vector<16xf32>,
    tpu.vector_store %arg11[%swap3A_402, %swap3A_403], %broadcast_in_dim3A_1 {strides = array<i32>} : memref<16x128xf32, #tpu.memory_space<vmem>>, vector<16xf32>,
    %swap3A_405 = arith.constant 12 : i32
    %swap3A_406 = arith.index_cast %swap3A_405 : i32 to index
    %swap3A_407 = arith.constant 80 : index
    %swap3A_408 = tpu.vector_load %arg11[%swap3A_406, %swap3A_407] {strides = array<i32>} : memref<16x128xf32, #tpu.memory_space<vmem>>, vector<16xf32>,
    tpu.vector_store %arg11[%swap3A_406, %swap3A_407], %broadcast_in_dim3A_1 {strides = array<i32>} : memref<16x128xf32, #tpu.memory_space<vmem>>, vector<16xf32>,
    %swap3A_409 = arith.constant 12 : i32
    %swap3A_410 = arith.index_cast %swap3A_409 : i32 to index
    %swap3A_411 = arith.constant 96 : index
    %swap3A_412 = tpu.vector_load %arg11[%swap3A_410, %swap3A_411] {strides = array<i32>} : memref<16x128xf32, #tpu.memory_space<vmem>>, vector<16xf32>,
    tpu.vector_store %arg11[%swap3A_410, %swap3A_411], %broadcast_in_dim3A_1 {strides = array<i32>} : memref<16x128xf32, #tpu.memory_space<vmem>>, vector<16xf32>,
    %swap3A_413 = arith.constant 12 : i32
    %swap3A_414 = arith.index_cast %swap3A_413 : i32 to index
    %swap3A_415 = arith.constant 112 : index
    %swap3A_416 = tpu.vector_load %arg11[%swap3A_414, %swap3A_415] {strides = array<i32>} : memref<16x128xf32, #tpu.memory_space<vmem>>, vector<16xf32>,
    tpu.vector_store %arg11[%swap3A_414, %swap3A_415], %broadcast_in_dim3A_1 {strides = array<i32>} : memref<16x128xf32, #tpu.memory_space<vmem>>, vector<16xf32>,
    %swap3A_417 = arith.constant 13 : i32
    %swap3A_418 = arith.index_cast %swap3A_417 : i32 to index
    %swap3A_419 = arith.constant 0 : index
    %swap3A_420 = tpu.vector_load %arg11[%swap3A_418, %swap3A_419] {strides = array<i32>} : memref<16x128xf32, #tpu.memory_space<vmem>>, vector<16xf32>,
    tpu.vector_store %arg11[%swap3A_418, %swap3A_419], %broadcast_in_dim3A_1 {strides = array<i32>} : memref<16x128xf32, #tpu.memory_space<vmem>>, vector<16xf32>,
    %swap3A_421 = arith.constant 13 : i32
    %swap3A_422 = arith.index_cast %swap3A_421 : i32 to index
    %swap3A_423 = arith.constant 16 : index
    %swap3A_424 = tpu.vector_load %arg11[%swap3A_422, %swap3A_423] {strides = array<i32>} : memref<16x128xf32, #tpu.memory_space<vmem>>, vector<16xf32>,
    tpu.vector_store %arg11[%swap3A_422, %swap3A_423], %broadcast_in_dim3A_1 {strides = array<i32>} : memref<16x128xf32, #tpu.memory_space<vmem>>, vector<16xf32>,
    %swap3A_425 = arith.constant 13 : i32
    %swap3A_426 = arith.index_cast %swap3A_425 : i32 to index
    %swap3A_427 = arith.constant 32 : index
    %swap3A_428 = tpu.vector_load %arg11[%swap3A_426, %swap3A_427] {strides = array<i32>} : memref<16x128xf32, #tpu.memory_space<vmem>>, vector<16xf32>,
    tpu.vector_store %arg11[%swap3A_426, %swap3A_427], %broadcast_in_dim3A_1 {strides = array<i32>} : memref<16x128xf32, #tpu.memory_space<vmem>>, vector<16xf32>,
    %swap3A_429 = arith.constant 13 : i32
    %swap3A_430 = arith.index_cast %swap3A_429 : i32 to index
    %swap3A_431 = arith.constant 48 : index
    %swap3A_432 = tpu.vector_load %arg11[%swap3A_430, %swap3A_431] {strides = array<i32>} : memref<16x128xf32, #tpu.memory_space<vmem>>, vector<16xf32>,
    tpu.vector_store %arg11[%swap3A_430, %swap3A_431], %broadcast_in_dim3A_1 {strides = array<i32>} : memref<16x128xf32, #tpu.memory_space<vmem>>, vector<16xf32>,
    %swap3A_433 = arith.constant 13 : i32
    %swap3A_434 = arith.index_cast %swap3A_433 : i32 to index
    %swap3A_435 = arith.constant 64 : index
    %swap3A_436 = tpu.vector_load %arg11[%swap3A_434, %swap3A_435] {strides = array<i32>} : memref<16x128xf32, #tpu.memory_space<vmem>>, vector<16xf32>,
    tpu.vector_store %arg11[%swap3A_434, %swap3A_435], %broadcast_in_dim3A_1 {strides = array<i32>} : memref<16x128xf32, #tpu.memory_space<vmem>>, vector<16xf32>,
    %swap3A_437 = arith.constant 13 : i32
    %swap3A_438 = arith.index_cast %swap3A_437 : i32 to index
    %swap3A_439 = arith.constant 80 : index
    %swap3A_440 = tpu.vector_load %arg11[%swap3A_438, %swap3A_439] {strides = array<i32>} : memref<16x128xf32, #tpu.memory_space<vmem>>, vector<16xf32>,
    tpu.vector_store %arg11[%swap3A_438, %swap3A_439], %broadcast_in_dim3A_1 {strides = array<i32>} : memref<16x128xf32, #tpu.memory_space<vmem>>, vector<16xf32>,
    %swap3A_441 = arith.constant 13 : i32
    %swap3A_442 = arith.index_cast %swap3A_441 : i32 to index
    %swap3A_443 = arith.constant 96 : index
    %swap3A_444 = tpu.vector_load %arg11[%swap3A_442, %swap3A_443] {strides = array<i32>} : memref<16x128xf32, #tpu.memory_space<vmem>>, vector<16xf32>,
    tpu.vector_store %arg11[%swap3A_442, %swap3A_443], %broadcast_in_dim3A_1 {strides = array<i32>} : memref<16x128xf32, #tpu.memory_space<vmem>>, vector<16xf32>,
    %swap3A_445 = arith.constant 13 : i32
    %swap3A_446 = arith.index_cast %swap3A_445 : i32 to index
    %swap3A_447 = arith.constant 112 : index
    %swap3A_448 = tpu.vector_load %arg11[%swap3A_446, %swap3A_447] {strides = array<i32>} : memref<16x128xf32, #tpu.memory_space<vmem>>, vector<16xf32>,
    tpu.vector_store %arg11[%swap3A_446, %swap3A_447], %broadcast_in_dim3A_1 {strides = array<i32>} : memref<16x128xf32, #tpu.memory_space<vmem>>, vector<16xf32>,
    %swap3A_449 = arith.constant 14 : i32
    %swap3A_450 = arith.index_cast %swap3A_449 : i32 to index
    %swap3A_451 = arith.constant 0 : index
    %swap3A_452 = tpu.vector_load %arg11[%swap3A_450, %swap3A_451] {strides = array<i32>} : memref<16x128xf32, #tpu.memory_space<vmem>>, vector<16xf32>,
    tpu.vector_store %arg11[%swap3A_450, %swap3A_451], %broadcast_in_dim3A_1 {strides = array<i32>} : memref<16x128xf32, #tpu.memory_space<vmem>>, vector<16xf32>,
    %swap3A_453 = arith.constant 14 : i32
    %swap3A_454 = arith.index_cast %swap3A_453 : i32 to index
    %swap3A_455 = arith.constant 16 : index
    %swap3A_456 = tpu.vector_load %arg11[%swap3A_454, %swap3A_455] {strides = array<i32>} : memref<16x128xf32, #tpu.memory_space<vmem>>, vector<16xf32>,
    tpu.vector_store %arg11[%swap3A_454, %swap3A_455], %broadcast_in_dim3A_1 {strides = array<i32>} : memref<16x128xf32, #tpu.memory_space<vmem>>, vector<16xf32>,
    %swap3A_457 = arith.constant 14 : i32
    %swap3A_458 = arith.index_cast %swap3A_457 : i32 to index
    %swap3A_459 = arith.constant 32 : index
    %swap3A_460 = tpu.vector_load %arg11[%swap3A_458, %swap3A_459] {strides = array<i32>} : memref<16x128xf32, #tpu.memory_space<vmem>>, vector<16xf32>,
    tpu.vector_store %arg11[%swap3A_458, %swap3A_459], %broadcast_in_dim3A_1 {strides = array<i32>} : memref<16x128xf32, #tpu.memory_space<vmem>>, vector<16xf32>,
    %swap3A_461 = arith.constant 14 : i32
    %swap3A_462 = arith.index_cast %swap3A_461 : i32 to index
    %swap3A_463 = arith.constant 48 : index
    %swap3A_464 = tpu.vector_load %arg11[%swap3A_462, %swap3A_463] {strides = array<i32>} : memref<16x128xf32, #tpu.memory_space<vmem>>, vector<16xf32>,
    tpu.vector_store %arg11[%swap3A_462, %swap3A_463], %broadcast_in_dim3A_1 {strides = array<i32>} : memref<16x128xf32, #tpu.memory_space<vmem>>, vector<16xf32>,
    %swap3A_465 = arith.constant 14 : i32
    %swap3A_466 = arith.index_cast %swap3A_465 : i32 to index
    %swap3A_467 = arith.constant 64 : index
    %swap3A_468 = tpu.vector_load %arg11[%swap3A_466, %swap3A_467] {strides = array<i32>} : memref<16x128xf32, #tpu.memory_space<vmem>>, vector<16xf32>,
    tpu.vector_store %arg11[%swap3A_466, %swap3A_467], %broadcast_in_dim3A_1 {strides = array<i32>} : memref<16x128xf32, #tpu.memory_space<vmem>>, vector<16xf32>,
    %swap3A_469 = arith.constant 14 : i32
    %swap3A_470 = arith.index_cast %swap3A_469 : i32 to index
    %swap3A_471 = arith.constant 80 : index
    %swap3A_472 = tpu.vector_load %arg11[%swap3A_470, %swap3A_471] {strides = array<i32>} : memref<16x128xf32, #tpu.memory_space<vmem>>, vector<16xf32>,
    tpu.vector_store %arg11[%swap3A_470, %swap3A_471], %broadcast_in_dim3A_1 {strides = array<i32>} : memref<16x128xf32, #tpu.memory_space<vmem>>, vector<16xf32>,
    %swap3A_473 = arith.constant 14 : i32
    %swap3A_474 = arith.index_cast %swap3A_473 : i32 to index
    %swap3A_475 = arith.constant 96 : index
    %swap3A_476 = tpu.vector_load %arg11[%swap3A_474, %swap3A_475] {strides = array<i32>} : memref<16x128xf32, #tpu.memory_space<vmem>>, vector<16xf32>,
    tpu.vector_store %arg11[%swap3A_474, %swap3A_475], %broadcast_in_dim3A_1 {strides = array<i32>} : memref<16x128xf32, #tpu.memory_space<vmem>>, vector<16xf32>,
    %swap3A_477 = arith.constant 14 : i32
    %swap3A_478 = arith.index_cast %swap3A_477 : i32 to index
    %swap3A_479 = arith.constant 112 : index
    %swap3A_480 = tpu.vector_load %arg11[%swap3A_478, %swap3A_479] {strides = array<i32>} : memref<16x128xf32, #tpu.memory_space<vmem>>, vector<16xf32>,
    tpu.vector_store %arg11[%swap3A_478, %swap3A_479], %broadcast_in_dim3A_1 {strides = array<i32>} : memref<16x128xf32, #tpu.memory_space<vmem>>, vector<16xf32>,
    %swap3A_481 = arith.constant 15 : i32
    %swap3A_482 = arith.index_cast %swap3A_481 : i32 to index
    %swap3A_483 = arith.constant 0 : index
    %swap3A_484 = tpu.vector_load %arg11[%swap3A_482, %swap3A_483] {strides = array<i32>} : memref<16x128xf32, #tpu.memory_space<vmem>>, vector<16xf32>,
    tpu.vector_store %arg11[%swap3A_482, %swap3A_483], %broadcast_in_dim3A_1 {strides = array<i32>} : memref<16x128xf32, #tpu.memory_space<vmem>>, vector<16xf32>,
    %swap3A_485 = arith.constant 15 : i32
    %swap3A_486 = arith.index_cast %swap3A_485 : i32 to index
    %swap3A_487 = arith.constant 16 : index
    %swap3A_488 = tpu.vector_load %arg11[%swap3A_486, %swap3A_487] {strides = array<i32>} : memref<16x128xf32, #tpu.memory_space<vmem>>, vector<16xf32>,
    tpu.vector_store %arg11[%swap3A_486, %swap3A_487], %broadcast_in_dim3A_1 {strides = array<i32>} : memref<16x128xf32, #tpu.memory_space<vmem>>, vector<16xf32>,
    %swap3A_489 = arith.constant 15 : i32
    %swap3A_490 = arith.index_cast %swap3A_489 : i32 to index
    %swap3A_491 = arith.constant 32 : index
    %swap3A_492 = tpu.vector_load %arg11[%swap3A_490, %swap3A_491] {strides = array<i32>} : memref<16x128xf32, #tpu.memory_space<vmem>>, vector<16xf32>,
    tpu.vector_store %arg11[%swap3A_490, %swap3A_491], %broadcast_in_dim3A_1 {strides = array<i32>} : memref<16x128xf32, #tpu.memory_space<vmem>>, vector<16xf32>,
    %swap3A_493 = arith.constant 15 : i32
    %swap3A_494 = arith.index_cast %swap3A_493 : i32 to index
    %swap3A_495 = arith.constant 48 : index
    %swap3A_496 = tpu.vector_load %arg11[%swap3A_494, %swap3A_495] {strides = array<i32>} : memref<16x128xf32, #tpu.memory_space<vmem>>, vector<16xf32>,
    tpu.vector_store %arg11[%swap3A_494, %swap3A_495], %broadcast_in_dim3A_1 {strides = array<i32>} : memref<16x128xf32, #tpu.memory_space<vmem>>, vector<16xf32>,
    %swap3A_497 = arith.constant 15 : i32
    %swap3A_498 = arith.index_cast %swap3A_497 : i32 to index
    %swap3A_499 = arith.constant 64 : index
    %swap3A_500 = tpu.vector_load %arg11[%swap3A_498, %swap3A_499] {strides = array<i32>} : memref<16x128xf32, #tpu.memory_space<vmem>>, vector<16xf32>,
    tpu.vector_store %arg11[%swap3A_498, %swap3A_499], %broadcast_in_dim3A_1 {strides = array<i32>} : memref<16x128xf32, #tpu.memory_space<vmem>>, vector<16xf32>,
    %swap3A_501 = arith.constant 15 : i32
    %swap3A_502 = arith.index_cast %swap3A_501 : i32 to index
    %swap3A_503 = arith.constant 80 : index
    %swap3A_504 = tpu.vector_load %arg11[%swap3A_502, %swap3A_503] {strides = array<i32>} : memref<16x128xf32, #tpu.memory_space<vmem>>, vector<16xf32>,
    tpu.vector_store %arg11[%swap3A_502, %swap3A_503], %broadcast_in_dim3A_1 {strides = array<i32>} : memref<16x128xf32, #tpu.memory_space<vmem>>, vector<16xf32>,
    %swap3A_505 = arith.constant 15 : i32
    %swap3A_506 = arith.index_cast %swap3A_505 : i32 to index
    %swap3A_507 = arith.constant 96 : index
    %swap3A_508 = tpu.vector_load %arg11[%swap3A_506, %swap3A_507] {strides = array<i32>} : memref<16x128xf32, #tpu.memory_space<vmem>>, vector<16xf32>,
    tpu.vector_store %arg11[%swap3A_506, %swap3A_507], %broadcast_in_dim3A_1 {strides = array<i32>} : memref<16x128xf32, #tpu.memory_space<vmem>>, vector<16xf32>,
    %swap3A_509 = arith.constant 15 : i32
    %swap3A_510 = arith.index_cast %swap3A_509 : i32 to index
    %swap3A_511 = arith.constant 112 : index
    %swap3A_512 = tpu.vector_load %arg11[%swap3A_510, %swap3A_511] {strides = array<i32>} : memref<16x128xf32, #tpu.memory_space<vmem>>, vector<16xf32>,
    tpu.vector_store %arg11[%swap3A_510, %swap3A_511], %broadcast_in_dim3A_1 {strides = array<i32>} : memref<16x128xf32, #tpu.memory_space<vmem>>, vector<16xf32>,
    %iota3A = tpu.iota {dimensions = array<i32: 0>} : vector<16xi32>
    %mul3A_513 = arith.constant 62496 : i32
    %mul3A_514 = arith.muli %add3A, %mul3A_513 : i32
    %add3A_515 = arith.constant 0 : i32
    %add3A_516 = arith.addi %mul3A_514, %add3A_515 : i32
    %dma_start3A = tpu.memref_slice %arg2[%add3A_516] : memref<2000000xf32, #tpu.memory_space<hbm>> -> memref<3472xf32, #tpu.memory_space<hbm>>
    %dma_start3A_517 = tpu.memref_slice %arg2[%add3A_516] : memref<2000000xf32, #tpu.memory_space<hbm>> -> memref<3472xf32, #tpu.memory_space<hbm>>
    tpu.enqueue_dma source(%dma_start3A_517 : memref<3472xf32, #tpu.memory_space<hbm>>) target(%arg5 : memref<3472xf32, #tpu.memory_space<vmem>>) target_semaphore(%arg13 : memref<!tpu.dma_semaphore, #tpu.memory_space<semaphore_mem>>)
    %add3A_518 = arith.constant 0 : i32
    %add3A_519 = arith.addi %mul3A_514, %add3A_518 : i32
    %dma_start3A_520 = tpu.memref_slice %arg3[%add3A_519] : memref<2000000xi32, #tpu.memory_space<hbm>> -> memref<3472xi32, #tpu.memory_space<hbm>>
    %dma_start3A_521 = tpu.memref_slice %arg3[%add3A_519] : memref<2000000xi32, #tpu.memory_space<hbm>> -> memref<3472xi32, #tpu.memory_space<hbm>>
    tpu.enqueue_dma source(%dma_start3A_521 : memref<3472xi32, #tpu.memory_space<hbm>>) target(%arg8 : memref<3472xi32, #tpu.memory_space<vmem>>) target_semaphore(%arg16 : memref<!tpu.dma_semaphore, #tpu.memory_space<semaphore_mem>>)
    %add3A_522 = arith.constant 3472 : i32
    %add3A_523 = arith.addi %mul3A_514, %add3A_522 : i32
    %dma_start3A_524 = tpu.memref_slice %arg2[%add3A_523] : memref<2000000xf32, #tpu.memory_space<hbm>> -> memref<3472xf32, #tpu.memory_space<hbm>>
    %dma_start3A_525 = tpu.memref_slice %arg2[%add3A_523] : memref<2000000xf32, #tpu.memory_space<hbm>> -> memref<3472xf32, #tpu.memory_space<hbm>>
    tpu.enqueue_dma source(%dma_start3A_525 : memref<3472xf32, #tpu.memory_space<hbm>>) target(%arg6 : memref<3472xf32, #tpu.memory_space<vmem>>) target_semaphore(%arg14 : memref<!tpu.dma_semaphore, #tpu.memory_space<semaphore_mem>>)
    %add3A_526 = arith.constant 3472 : i32
    %add3A_527 = arith.addi %mul3A_514, %add3A_526 : i32
    %dma_start3A_528 = tpu.memref_slice %arg3[%add3A_527] : memref<2000000xi32, #tpu.memory_space<hbm>> -> memref<3472xi32, #tpu.memory_space<hbm>>
    %dma_start3A_529 = tpu.memref_slice %arg3[%add3A_527] : memref<2000000xi32, #tpu.memory_space<hbm>> -> memref<3472xi32, #tpu.memory_space<hbm>>
    tpu.enqueue_dma source(%dma_start3A_529 : memref<3472xi32, #tpu.memory_space<hbm>>) target(%arg9 : memref<3472xi32, #tpu.memory_space<vmem>>) target_semaphore(%arg17 : memref<!tpu.dma_semaphore, #tpu.memory_space<semaphore_mem>>)
    %add3A_530 = arith.constant 6944 : i32
    %add3A_531 = arith.addi %mul3A_514, %add3A_530 : i32
    %dma_start3A_532 = tpu.memref_slice %arg2[%add3A_531] : memref<2000000xf32, #tpu.memory_space<hbm>> -> memref<3472xf32, #tpu.memory_space<hbm>>
    %dma_start3A_533 = tpu.memref_slice %arg2[%add3A_531] : memref<2000000xf32, #tpu.memory_space<hbm>> -> memref<3472xf32, #tpu.memory_space<hbm>>
    tpu.enqueue_dma source(%dma_start3A_533 : memref<3472xf32, #tpu.memory_space<hbm>>) target(%arg7 : memref<3472xf32, #tpu.memory_space<vmem>>) target_semaphore(%arg15 : memref<!tpu.dma_semaphore, #tpu.memory_space<semaphore_mem>>)
    %add3A_534 = arith.constant 6944 : i32
    %add3A_535 = arith.addi %mul3A_514, %add3A_534 : i32
    %dma_start3A_536 = tpu.memref_slice %arg3[%add3A_535] : memref<2000000xi32, #tpu.memory_space<hbm>> -> memref<3472xi32, #tpu.memory_space<hbm>>
    %dma_start3A_537 = tpu.memref_slice %arg3[%add3A_535] : memref<2000000xi32, #tpu.memory_space<hbm>> -> memref<3472xi32, #tpu.memory_space<hbm>>
    tpu.enqueue_dma source(%dma_start3A_537 : memref<3472xi32, #tpu.memory_space<hbm>>) target(%arg10 : memref<3472xi32, #tpu.memory_space<vmem>>) target_semaphore(%arg18 : memref<!tpu.dma_semaphore, #tpu.memory_space<semaphore_mem>>)
    %scan3A = arith.constant 0 : i32
    %scan3A_538 = arith.constant 5 : i32
    %scan3A_539 = arith.addi %scan3A, %scan3A_538 : i32
    %scan3A_540 = arith.constant 1 : i32
    scf.for %scan3A_1222 = %scan3A to %scan3A_539 step %scan3A_540  : i32 {
      %mul3A_1223 = arith.constant 1 : i32
      %mul3A_1224 = arith.muli %scan3A_1222, %mul3A_1223 : i32
      %add3A_1225 = arith.constant 0 : i32
      %add3A_1226 = arith.addi %add3A_1225, %mul3A_1224 : i32
      %mul3A_1227 = arith.constant 3 : i32
      %mul3A_1228 = arith.muli %add3A_1226, %mul3A_1227 : i32
      %add3A_1229 = arith.constant 0 : i32
      %add3A_1230 = arith.addi %mul3A_1228, %add3A_1229 : i32
      %mul3A_1231 = arith.constant 3472 : i32
      %mul3A_1232 = arith.muli %add3A_1230, %mul3A_1231 : i32
      %add3A_1233 = arith.addi %mul3A_514, %mul3A_1232 : i32
      %dma_wait3A_1234 = tpu.memref_slice %arg2[%add3A_1233] : memref<2000000xf32, #tpu.memory_space<hbm>> -> memref<3472xf32, #tpu.memory_space<hbm>>
      %dma_wait3A_1235 = tpu.memref_slice %arg2[%add3A_1233] : memref<2000000xf32, #tpu.memory_space<hbm>> -> memref<3472xf32, #tpu.memory_space<hbm>>
      tpu.wait_dma2 semaphore(%arg13 : memref<!tpu.dma_semaphore, #tpu.memory_space<semaphore_mem>>) src(%dma_wait3A_1235 : memref<3472xf32, #tpu.memory_space<hbm>>) dst(%arg5 : memref<3472xf32, #tpu.memory_space<vmem>>)
      %mul3A_1236 = arith.constant 3472 : i32
      %mul3A_1237 = arith.muli %add3A_1230, %mul3A_1236 : i32
      %add3A_1238 = arith.addi %mul3A_514, %mul3A_1237 : i32
      %dma_wait3A_1239 = tpu.memref_slice %arg3[%add3A_1238] : memref<2000000xi32, #tpu.memory_space<hbm>> -> memref<3472xi32, #tpu.memory_space<hbm>>
      %dma_wait3A_1240 = tpu.memref_slice %arg3[%add3A_1238] : memref<2000000xi32, #tpu.memory_space<hbm>> -> memref<3472xi32, #tpu.memory_space<hbm>>
      tpu.wait_dma2 semaphore(%arg16 : memref<!tpu.dma_semaphore, #tpu.memory_space<semaphore_mem>>) src(%dma_wait3A_1240 : memref<3472xi32, #tpu.memory_space<hbm>>) dst(%arg8 : memref<3472xi32, #tpu.memory_space<vmem>>)
      %parallel_loop3A_1241 = arith.constant 0 : i32
      %parallel_loop3A_1242 = arith.constant 3472 : i32
      %parallel_loop3A_1243 = arith.constant 16 : i32
      scf.for %parallel_loop3A_1316 = %parallel_loop3A_1241 to %parallel_loop3A_1242 step %parallel_loop3A_1243  : i32 {
        %parallel_loop3A_1317 = arith.index_cast %parallel_loop3A_1316 : i32 to index
        %parallel_loop3A_1318 = tpu.vector_load %arg8[%parallel_loop3A_1317] {strides = array<i32>} : memref<3472xi32, #tpu.memory_space<vmem>>, vector<16xi32>,
        %parallel_loop3A_1319 = arith.index_cast %parallel_loop3A_1316 : i32 to index
        %parallel_loop3A_1320 = tpu.vector_load %arg5[%parallel_loop3A_1319] {strides = array<i32>} : memref<3472xf32, #tpu.memory_space<vmem>>, vector<16xf32>,
        tpu.vector_store_idx %arg11[%iota3A, %parallel_loop3A_1318], %parallel_loop3A_1320 {add = true} : memref<16x128xf32, #tpu.memory_space<vmem>>[vector<16xi32>, vector<16xi32>], vector<16xf32>,
      } {sc.loop_unroll_factor = 7 : i64, sc.parallel_access}
      %add3A_1244 = arith.constant 3 : i32
      %add3A_1245 = arith.addi %mul3A_1228, %add3A_1244 : i32
      %add3A_1246 = arith.constant 0 : i32
      %add3A_1247 = arith.addi %add3A_1245, %add3A_1246 : i32
      %mul3A_1248 = arith.constant 3472 : i32
      %mul3A_1249 = arith.muli %add3A_1247, %mul3A_1248 : i32
      %add3A_1250 = arith.addi %mul3A_514, %mul3A_1249 : i32
      %dma_start3A_1251 = tpu.memref_slice %arg2[%add3A_1250] : memref<2000000xf32, #tpu.memory_space<hbm>> -> memref<3472xf32, #tpu.memory_space<hbm>>
      %dma_start3A_1252 = tpu.memref_slice %arg2[%add3A_1250] : memref<2000000xf32, #tpu.memory_space<hbm>> -> memref<3472xf32, #tpu.memory_space<hbm>>
      tpu.enqueue_dma source(%dma_start3A_1252 : memref<3472xf32, #tpu.memory_space<hbm>>) target(%arg5 : memref<3472xf32, #tpu.memory_space<vmem>>) target_semaphore(%arg13 : memref<!tpu.dma_semaphore, #tpu.memory_space<semaphore_mem>>)
      %mul3A_1253 = arith.constant 3472 : i32
      %mul3A_1254 = arith.muli %add3A_1247, %mul3A_1253 : i32
      %add3A_1255 = arith.addi %mul3A_514, %mul3A_1254 : i32
      %dma_start3A_1256 = tpu.memref_slice %arg3[%add3A_1255] : memref<2000000xi32, #tpu.memory_space<hbm>> -> memref<3472xi32, #tpu.memory_space<hbm>>
      %dma_start3A_1257 = tpu.memref_slice %arg3[%add3A_1255] : memref<2000000xi32, #tpu.memory_space<hbm>> -> memref<3472xi32, #tpu.memory_space<hbm>>
      tpu.enqueue_dma source(%dma_start3A_1257 : memref<3472xi32, #tpu.memory_space<hbm>>) target(%arg8 : memref<3472xi32, #tpu.memory_space<vmem>>) target_semaphore(%arg16 : memref<!tpu.dma_semaphore, #tpu.memory_space<semaphore_mem>>)
      %add3A_1258 = arith.constant 1 : i32
      %add3A_1259 = arith.addi %mul3A_1228, %add3A_1258 : i32
      %mul3A_1260 = arith.constant 3472 : i32
      %mul3A_1261 = arith.muli %add3A_1259, %mul3A_1260 : i32
      %add3A_1262 = arith.addi %mul3A_514, %mul3A_1261 : i32
      %dma_wait3A_1263 = tpu.memref_slice %arg2[%add3A_1262] : memref<2000000xf32, #tpu.memory_space<hbm>> -> memref<3472xf32, #tpu.memory_space<hbm>>
      %dma_wait3A_1264 = tpu.memref_slice %arg2[%add3A_1262] : memref<2000000xf32, #tpu.memory_space<hbm>> -> memref<3472xf32, #tpu.memory_space<hbm>>
      tpu.wait_dma2 semaphore(%arg14 : memref<!tpu.dma_semaphore, #tpu.memory_space<semaphore_mem>>) src(%dma_wait3A_1264 : memref<3472xf32, #tpu.memory_space<hbm>>) dst(%arg6 : memref<3472xf32, #tpu.memory_space<vmem>>)
      %mul3A_1265 = arith.constant 3472 : i32
      %mul3A_1266 = arith.muli %add3A_1259, %mul3A_1265 : i32
      %add3A_1267 = arith.addi %mul3A_514, %mul3A_1266 : i32
      %dma_wait3A_1268 = tpu.memref_slice %arg3[%add3A_1267] : memref<2000000xi32, #tpu.memory_space<hbm>> -> memref<3472xi32, #tpu.memory_space<hbm>>
      %dma_wait3A_1269 = tpu.memref_slice %arg3[%add3A_1267] : memref<2000000xi32, #tpu.memory_space<hbm>> -> memref<3472xi32, #tpu.memory_space<hbm>>
      tpu.wait_dma2 semaphore(%arg17 : memref<!tpu.dma_semaphore, #tpu.memory_space<semaphore_mem>>) src(%dma_wait3A_1269 : memref<3472xi32, #tpu.memory_space<hbm>>) dst(%arg9 : memref<3472xi32, #tpu.memory_space<vmem>>)
      %parallel_loop3A_1270 = arith.constant 0 : i32
      %parallel_loop3A_1271 = arith.constant 3472 : i32
      %parallel_loop3A_1272 = arith.constant 16 : i32
      scf.for %parallel_loop3A_1316 = %parallel_loop3A_1270 to %parallel_loop3A_1271 step %parallel_loop3A_1272  : i32 {
        %parallel_loop3A_1317 = arith.index_cast %parallel_loop3A_1316 : i32 to index
        %parallel_loop3A_1318 = tpu.vector_load %arg9[%parallel_loop3A_1317] {strides = array<i32>} : memref<3472xi32, #tpu.memory_space<vmem>>, vector<16xi32>,
        %parallel_loop3A_1319 = arith.index_cast %parallel_loop3A_1316 : i32 to index
        %parallel_loop3A_1320 = tpu.vector_load %arg6[%parallel_loop3A_1319] {strides = array<i32>} : memref<3472xf32, #tpu.memory_space<vmem>>, vector<16xf32>,
        tpu.vector_store_idx %arg11[%iota3A, %parallel_loop3A_1318], %parallel_loop3A_1320 {add = true} : memref<16x128xf32, #tpu.memory_space<vmem>>[vector<16xi32>, vector<16xi32>], vector<16xf32>,
      } {sc.loop_unroll_factor = 7 : i64, sc.parallel_access}
      %add3A_1273 = arith.constant 3 : i32
      %add3A_1274 = arith.addi %mul3A_1228, %add3A_1273 : i32
      %add3A_1275 = arith.constant 1 : i32
      %add3A_1276 = arith.addi %add3A_1274, %add3A_1275 : i32
      %mul3A_1277 = arith.constant 3472 : i32
      %mul3A_1278 = arith.muli %add3A_1276, %mul3A_1277 : i32
      %add3A_1279 = arith.addi %mul3A_514, %mul3A_1278 : i32
      %dma_start3A_1280 = tpu.memref_slice %arg2[%add3A_1279] : memref<2000000xf32, #tpu.memory_space<hbm>> -> memref<3472xf32, #tpu.memory_space<hbm>>
      %dma_start3A_1281 = tpu.memref_slice %arg2[%add3A_1279] : memref<2000000xf32, #tpu.memory_space<hbm>> -> memref<3472xf32, #tpu.memory_space<hbm>>
      tpu.enqueue_dma source(%dma_start3A_1281 : memref<3472xf32, #tpu.memory_space<hbm>>) target(%arg6 : memref<3472xf32, #tpu.memory_space<vmem>>) target_semaphore(%arg14 : memref<!tpu.dma_semaphore, #tpu.memory_space<semaphore_mem>>)
      %mul3A_1282 = arith.constant 3472 : i32
      %mul3A_1283 = arith.muli %add3A_1276, %mul3A_1282 : i32
      %add3A_1284 = arith.addi %mul3A_514, %mul3A_1283 : i32
      %dma_start3A_1285 = tpu.memref_slice %arg3[%add3A_1284] : memref<2000000xi32, #tpu.memory_space<hbm>> -> memref<3472xi32, #tpu.memory_space<hbm>>
      %dma_start3A_1286 = tpu.memref_slice %arg3[%add3A_1284] : memref<2000000xi32, #tpu.memory_space<hbm>> -> memref<3472xi32, #tpu.memory_space<hbm>>
      tpu.enqueue_dma source(%dma_start3A_1286 : memref<3472xi32, #tpu.memory_space<hbm>>) target(%arg9 : memref<3472xi32, #tpu.memory_space<vmem>>) target_semaphore(%arg17 : memref<!tpu.dma_semaphore, #tpu.memory_space<semaphore_mem>>)
      %add3A_1287 = arith.constant 2 : i32
      %add3A_1288 = arith.addi %mul3A_1228, %add3A_1287 : i32
      %mul3A_1289 = arith.constant 3472 : i32
      %mul3A_1290 = arith.muli %add3A_1288, %mul3A_1289 : i32
      %add3A_1291 = arith.addi %mul3A_514, %mul3A_1290 : i32
      %dma_wait3A_1292 = tpu.memref_slice %arg2[%add3A_1291] : memref<2000000xf32, #tpu.memory_space<hbm>> -> memref<3472xf32, #tpu.memory_space<hbm>>
      %dma_wait3A_1293 = tpu.memref_slice %arg2[%add3A_1291] : memref<2000000xf32, #tpu.memory_space<hbm>> -> memref<3472xf32, #tpu.memory_space<hbm>>
      tpu.wait_dma2 semaphore(%arg15 : memref<!tpu.dma_semaphore, #tpu.memory_space<semaphore_mem>>) src(%dma_wait3A_1293 : memref<3472xf32, #tpu.memory_space<hbm>>) dst(%arg7 : memref<3472xf32, #tpu.memory_space<vmem>>)
      %mul3A_1294 = arith.constant 3472 : i32
      %mul3A_1295 = arith.muli %add3A_1288, %mul3A_1294 : i32
      %add3A_1296 = arith.addi %mul3A_514, %mul3A_1295 : i32
      %dma_wait3A_1297 = tpu.memref_slice %arg3[%add3A_1296] : memref<2000000xi32, #tpu.memory_space<hbm>> -> memref<3472xi32, #tpu.memory_space<hbm>>
      %dma_wait3A_1298 = tpu.memref_slice %arg3[%add3A_1296] : memref<2000000xi32, #tpu.memory_space<hbm>> -> memref<3472xi32, #tpu.memory_space<hbm>>
      tpu.wait_dma2 semaphore(%arg18 : memref<!tpu.dma_semaphore, #tpu.memory_space<semaphore_mem>>) src(%dma_wait3A_1298 : memref<3472xi32, #tpu.memory_space<hbm>>) dst(%arg10 : memref<3472xi32, #tpu.memory_space<vmem>>)
      %parallel_loop3A_1299 = arith.constant 0 : i32
      %parallel_loop3A_1300 = arith.constant 3472 : i32
      %parallel_loop3A_1301 = arith.constant 16 : i32
      scf.for %parallel_loop3A_1316 = %parallel_loop3A_1299 to %parallel_loop3A_1300 step %parallel_loop3A_1301  : i32 {
        %parallel_loop3A_1317 = arith.index_cast %parallel_loop3A_1316 : i32 to index
        %parallel_loop3A_1318 = tpu.vector_load %arg10[%parallel_loop3A_1317] {strides = array<i32>} : memref<3472xi32, #tpu.memory_space<vmem>>, vector<16xi32>,
        %parallel_loop3A_1319 = arith.index_cast %parallel_loop3A_1316 : i32 to index
        %parallel_loop3A_1320 = tpu.vector_load %arg7[%parallel_loop3A_1319] {strides = array<i32>} : memref<3472xf32, #tpu.memory_space<vmem>>, vector<16xf32>,
        tpu.vector_store_idx %arg11[%iota3A, %parallel_loop3A_1318], %parallel_loop3A_1320 {add = true} : memref<16x128xf32, #tpu.memory_space<vmem>>[vector<16xi32>, vector<16xi32>], vector<16xf32>,
      } {sc.loop_unroll_factor = 7 : i64, sc.parallel_access}
      %add3A_1302 = arith.constant 3 : i32
      %add3A_1303 = arith.addi %mul3A_1228, %add3A_1302 : i32
      %add3A_1304 = arith.constant 2 : i32
      %add3A_1305 = arith.addi %add3A_1303, %add3A_1304 : i32
      %mul3A_1306 = arith.constant 3472 : i32
      %mul3A_1307 = arith.muli %add3A_1305, %mul3A_1306 : i32
      %add3A_1308 = arith.addi %mul3A_514, %mul3A_1307 : i32
      %dma_start3A_1309 = tpu.memref_slice %arg2[%add3A_1308] : memref<2000000xf32, #tpu.memory_space<hbm>> -> memref<3472xf32, #tpu.memory_space<hbm>>
      %dma_start3A_1310 = tpu.memref_slice %arg2[%add3A_1308] : memref<2000000xf32, #tpu.memory_space<hbm>> -> memref<3472xf32, #tpu.memory_space<hbm>>
      tpu.enqueue_dma source(%dma_start3A_1310 : memref<3472xf32, #tpu.memory_space<hbm>>) target(%arg7 : memref<3472xf32, #tpu.memory_space<vmem>>) target_semaphore(%arg15 : memref<!tpu.dma_semaphore, #tpu.memory_space<semaphore_mem>>)
      %mul3A_1311 = arith.constant 3472 : i32
      %mul3A_1312 = arith.muli %add3A_1305, %mul3A_1311 : i32
      %add3A_1313 = arith.addi %mul3A_514, %mul3A_1312 : i32
      %dma_start3A_1314 = tpu.memref_slice %arg3[%add3A_1313] : memref<2000000xi32, #tpu.memory_space<hbm>> -> memref<3472xi32, #tpu.memory_space<hbm>>
      %dma_start3A_1315 = tpu.memref_slice %arg3[%add3A_1313] : memref<2000000xi32, #tpu.memory_space<hbm>> -> memref<3472xi32, #tpu.memory_space<hbm>>
      tpu.enqueue_dma source(%dma_start3A_1315 : memref<3472xi32, #tpu.memory_space<hbm>>) target(%arg10 : memref<3472xi32, #tpu.memory_space<vmem>>) target_semaphore(%arg18 : memref<!tpu.dma_semaphore, #tpu.memory_space<semaphore_mem>>)
    }
    %scan3A_541 = arith.constant 5 : i32
    %add3A_542 = arith.constant 52080 : i32
    %add3A_543 = arith.addi %mul3A_514, %add3A_542 : i32
    %dma_wait3A = tpu.memref_slice %arg2[%add3A_543] : memref<2000000xf32, #tpu.memory_space<hbm>> -> memref<3472xf32, #tpu.memory_space<hbm>>
    %dma_wait3A_544 = tpu.memref_slice %arg2[%add3A_543] : memref<2000000xf32, #tpu.memory_space<hbm>> -> memref<3472xf32, #tpu.memory_space<hbm>>
    tpu.wait_dma2 semaphore(%arg13 : memref<!tpu.dma_semaphore, #tpu.memory_space<semaphore_mem>>) src(%dma_wait3A_544 : memref<3472xf32, #tpu.memory_space<hbm>>) dst(%arg5 : memref<3472xf32, #tpu.memory_space<vmem>>)
    %add3A_545 = arith.constant 52080 : i32
    %add3A_546 = arith.addi %mul3A_514, %add3A_545 : i32
    %dma_wait3A_547 = tpu.memref_slice %arg3[%add3A_546] : memref<2000000xi32, #tpu.memory_space<hbm>> -> memref<3472xi32, #tpu.memory_space<hbm>>
    %dma_wait3A_548 = tpu.memref_slice %arg3[%add3A_546] : memref<2000000xi32, #tpu.memory_space<hbm>> -> memref<3472xi32, #tpu.memory_space<hbm>>
    tpu.wait_dma2 semaphore(%arg16 : memref<!tpu.dma_semaphore, #tpu.memory_space<semaphore_mem>>) src(%dma_wait3A_548 : memref<3472xi32, #tpu.memory_space<hbm>>) dst(%arg8 : memref<3472xi32, #tpu.memory_space<vmem>>)
    %parallel_loop3A = arith.constant 0 : i32
    %parallel_loop3A_549 = arith.constant 3472 : i32
    %parallel_loop3A_550 = arith.constant 16 : i32
    scf.for %parallel_loop3A_1222 = %parallel_loop3A to %parallel_loop3A_549 step %parallel_loop3A_550  : i32 {
      %parallel_loop3A_1223 = arith.index_cast %parallel_loop3A_1222 : i32 to index
      %parallel_loop3A_1224 = tpu.vector_load %arg8[%parallel_loop3A_1223] {strides = array<i32>} : memref<3472xi32, #tpu.memory_space<vmem>>, vector<16xi32>,
      %parallel_loop3A_1225 = arith.index_cast %parallel_loop3A_1222 : i32 to index
      %parallel_loop3A_1226 = tpu.vector_load %arg5[%parallel_loop3A_1225] {strides = array<i32>} : memref<3472xf32, #tpu.memory_space<vmem>>, vector<16xf32>,
      tpu.vector_store_idx %arg11[%iota3A, %parallel_loop3A_1224], %parallel_loop3A_1226 {add = true} : memref<16x128xf32, #tpu.memory_space<vmem>>[vector<16xi32>, vector<16xi32>], vector<16xf32>,
    } {sc.loop_unroll_factor = 7 : i64, sc.parallel_access}
    %add3A_551 = arith.constant 55552 : i32
    %add3A_552 = arith.addi %mul3A_514, %add3A_551 : i32
    %dma_wait3A_553 = tpu.memref_slice %arg2[%add3A_552] : memref<2000000xf32, #tpu.memory_space<hbm>> -> memref<3472xf32, #tpu.memory_space<hbm>>
    %dma_wait3A_554 = tpu.memref_slice %arg2[%add3A_552] : memref<2000000xf32, #tpu.memory_space<hbm>> -> memref<3472xf32, #tpu.memory_space<hbm>>
    tpu.wait_dma2 semaphore(%arg14 : memref<!tpu.dma_semaphore, #tpu.memory_space<semaphore_mem>>) src(%dma_wait3A_554 : memref<3472xf32, #tpu.memory_space<hbm>>) dst(%arg6 : memref<3472xf32, #tpu.memory_space<vmem>>)
    %add3A_555 = arith.constant 55552 : i32
    %add3A_556 = arith.addi %mul3A_514, %add3A_555 : i32
    %dma_wait3A_557 = tpu.memref_slice %arg3[%add3A_556] : memref<2000000xi32, #tpu.memory_space<hbm>> -> memref<3472xi32, #tpu.memory_space<hbm>>
    %dma_wait3A_558 = tpu.memref_slice %arg3[%add3A_556] : memref<2000000xi32, #tpu.memory_space<hbm>> -> memref<3472xi32, #tpu.memory_space<hbm>>
    tpu.wait_dma2 semaphore(%arg17 : memref<!tpu.dma_semaphore, #tpu.memory_space<semaphore_mem>>) src(%dma_wait3A_558 : memref<3472xi32, #tpu.memory_space<hbm>>) dst(%arg9 : memref<3472xi32, #tpu.memory_space<vmem>>)
    %parallel_loop3A_559 = arith.constant 0 : i32
    %parallel_loop3A_560 = arith.constant 3472 : i32
    %parallel_loop3A_561 = arith.constant 16 : i32
    scf.for %parallel_loop3A_1222 = %parallel_loop3A_559 to %parallel_loop3A_560 step %parallel_loop3A_561  : i32 {
      %parallel_loop3A_1223 = arith.index_cast %parallel_loop3A_1222 : i32 to index
      %parallel_loop3A_1224 = tpu.vector_load %arg9[%parallel_loop3A_1223] {strides = array<i32>} : memref<3472xi32, #tpu.memory_space<vmem>>, vector<16xi32>,
      %parallel_loop3A_1225 = arith.index_cast %parallel_loop3A_1222 : i32 to index
      %parallel_loop3A_1226 = tpu.vector_load %arg6[%parallel_loop3A_1225] {strides = array<i32>} : memref<3472xf32, #tpu.memory_space<vmem>>, vector<16xf32>,
      tpu.vector_store_idx %arg11[%iota3A, %parallel_loop3A_1224], %parallel_loop3A_1226 {add = true} : memref<16x128xf32, #tpu.memory_space<vmem>>[vector<16xi32>, vector<16xi32>], vector<16xf32>,
    } {sc.loop_unroll_factor = 7 : i64, sc.parallel_access}
    %add3A_562 = arith.constant 59024 : i32
    %add3A_563 = arith.addi %mul3A_514, %add3A_562 : i32
    %dma_wait3A_564 = tpu.memref_slice %arg2[%add3A_563] : memref<2000000xf32, #tpu.memory_space<hbm>> -> memref<3472xf32, #tpu.memory_space<hbm>>
    %dma_wait3A_565 = tpu.memref_slice %arg2[%add3A_563] : memref<2000000xf32, #tpu.memory_space<hbm>> -> memref<3472xf32, #tpu.memory_space<hbm>>
    tpu.wait_dma2 semaphore(%arg15 : memref<!tpu.dma_semaphore, #tpu.memory_space<semaphore_mem>>) src(%dma_wait3A_565 : memref<3472xf32, #tpu.memory_space<hbm>>) dst(%arg7 : memref<3472xf32, #tpu.memory_space<vmem>>)
    %add3A_566 = arith.constant 59024 : i32
    %add3A_567 = arith.addi %mul3A_514, %add3A_566 : i32
    %dma_wait3A_568 = tpu.memref_slice %arg3[%add3A_567] : memref<2000000xi32, #tpu.memory_space<hbm>> -> memref<3472xi32, #tpu.memory_space<hbm>>
    %dma_wait3A_569 = tpu.memref_slice %arg3[%add3A_567] : memref<2000000xi32, #tpu.memory_space<hbm>> -> memref<3472xi32, #tpu.memory_space<hbm>>
    tpu.wait_dma2 semaphore(%arg18 : memref<!tpu.dma_semaphore, #tpu.memory_space<semaphore_mem>>) src(%dma_wait3A_569 : memref<3472xi32, #tpu.memory_space<hbm>>) dst(%arg10 : memref<3472xi32, #tpu.memory_space<vmem>>)
    %parallel_loop3A_570 = arith.constant 0 : i32
    %parallel_loop3A_571 = arith.constant 3472 : i32
    %parallel_loop3A_572 = arith.constant 16 : i32
    scf.for %parallel_loop3A_1222 = %parallel_loop3A_570 to %parallel_loop3A_571 step %parallel_loop3A_572  : i32 {
      %parallel_loop3A_1223 = arith.index_cast %parallel_loop3A_1222 : i32 to index
      %parallel_loop3A_1224 = tpu.vector_load %arg10[%parallel_loop3A_1223] {strides = array<i32>} : memref<3472xi32, #tpu.memory_space<vmem>>, vector<16xi32>,
      %parallel_loop3A_1225 = arith.index_cast %parallel_loop3A_1222 : i32 to index
      %parallel_loop3A_1226 = tpu.vector_load %arg7[%parallel_loop3A_1225] {strides = array<i32>} : memref<3472xf32, #tpu.memory_space<vmem>>, vector<16xf32>,
      tpu.vector_store_idx %arg11[%iota3A, %parallel_loop3A_1224], %parallel_loop3A_1226 {add = true} : memref<16x128xf32, #tpu.memory_space<vmem>>[vector<16xi32>, vector<16xi32>], vector<16xf32>,
    } {sc.loop_unroll_factor = 7 : i64, sc.parallel_access}
    %eq3A = arith.constant 0 : i32
    %eq3A_573 = arith.cmpi eq, %add3A, %eq3A : i32
    %convert_element_type3A = arith.extui %eq3A_573 : i1 to i32
    %cond3A = arith.constant 0 : i32
    %cond3A_574 = arith.cmpi ne, %convert_element_type3A, %cond3A : i32
    scf.if %cond3A_574 {
      "tpu.region"() ({
        %run_scoped3A = tpu.sem_alloc : memref<!tpu.dma_semaphore, #tpu.memory_space<semaphore_mem>>
        %dma_start3A_1225 = arith.constant 0 : i32
        %dma_start3A_1226 = tpu.memref_slice %arg5[%dma_start3A_1225] : memref<3472xf32, #tpu.memory_space<vmem>> -> memref<128xf32, #tpu.memory_space<vmem>>
        %dma_start3A_1227 = arith.constant 1999872 : i32
        %dma_start3A_1228 = tpu.memref_slice %arg2[%dma_start3A_1227] : memref<2000000xf32, #tpu.memory_space<hbm>> -> memref<128xf32, #tpu.memory_space<hbm>>
        %dma_start3A_1229 = arith.constant 0 : i32
        %dma_start3A_1230 = tpu.memref_slice %arg5[%dma_start3A_1229] : memref<3472xf32, #tpu.memory_space<vmem>> -> memref<128xf32, #tpu.memory_space<vmem>>
        %dma_start3A_1231 = arith.constant 1999872 : i32
        %dma_start3A_1232 = tpu.memref_slice %arg2[%dma_start3A_1231] : memref<2000000xf32, #tpu.memory_space<hbm>> -> memref<128xf32, #tpu.memory_space<hbm>>
        tpu.enqueue_dma source(%dma_start3A_1232 : memref<128xf32, #tpu.memory_space<hbm>>) target(%dma_start3A_1230 : memref<128xf32, #tpu.memory_space<vmem>>) target_semaphore(%run_scoped3A : memref<!tpu.dma_semaphore, #tpu.memory_space<semaphore_mem>>)
        %dma_wait3A_1233 = arith.constant 0 : i32
        %dma_wait3A_1234 = tpu.memref_slice %arg5[%dma_wait3A_1233] : memref<3472xf32, #tpu.memory_space<vmem>> -> memref<128xf32, #tpu.memory_space<vmem>>
        %dma_wait3A_1235 = arith.constant 1999872 : i32
        %dma_wait3A_1236 = tpu.memref_slice %arg2[%dma_wait3A_1235] : memref<2000000xf32, #tpu.memory_space<hbm>> -> memref<128xf32, #tpu.memory_space<hbm>>
        %dma_wait3A_1237 = arith.constant 0 : i32
        %dma_wait3A_1238 = tpu.memref_slice %arg5[%dma_wait3A_1237] : memref<3472xf32, #tpu.memory_space<vmem>> -> memref<128xf32, #tpu.memory_space<vmem>>
        %dma_wait3A_1239 = arith.constant 1999872 : i32
        %dma_wait3A_1240 = tpu.memref_slice %arg2[%dma_wait3A_1239] : memref<2000000xf32, #tpu.memory_space<hbm>> -> memref<128xf32, #tpu.memory_space<hbm>>
        tpu.wait_dma2 semaphore(%run_scoped3A : memref<!tpu.dma_semaphore, #tpu.memory_space<semaphore_mem>>) src(%dma_wait3A_1240 : memref<128xf32, #tpu.memory_space<hbm>>) dst(%dma_wait3A_1238 : memref<128xf32, #tpu.memory_space<vmem>>)
        tpu.yield
      }) : () -> ()
      "tpu.region"() ({
        %run_scoped3A = tpu.sem_alloc : memref<!tpu.dma_semaphore, #tpu.memory_space<semaphore_mem>>
        %dma_start3A_1225 = arith.constant 0 : i32
        %dma_start3A_1226 = tpu.memref_slice %arg8[%dma_start3A_1225] : memref<3472xi32, #tpu.memory_space<vmem>> -> memref<128xi32, #tpu.memory_space<vmem>>
        %dma_start3A_1227 = arith.constant 1999872 : i32
        %dma_start3A_1228 = tpu.memref_slice %arg3[%dma_start3A_1227] : memref<2000000xi32, #tpu.memory_space<hbm>> -> memref<128xi32, #tpu.memory_space<hbm>>
        %dma_start3A_1229 = arith.constant 0 : i32
        %dma_start3A_1230 = tpu.memref_slice %arg8[%dma_start3A_1229] : memref<3472xi32, #tpu.memory_space<vmem>> -> memref<128xi32, #tpu.memory_space<vmem>>
        %dma_start3A_1231 = arith.constant 1999872 : i32
        %dma_start3A_1232 = tpu.memref_slice %arg3[%dma_start3A_1231] : memref<2000000xi32, #tpu.memory_space<hbm>> -> memref<128xi32, #tpu.memory_space<hbm>>
        tpu.enqueue_dma source(%dma_start3A_1232 : memref<128xi32, #tpu.memory_space<hbm>>) target(%dma_start3A_1230 : memref<128xi32, #tpu.memory_space<vmem>>) target_semaphore(%run_scoped3A : memref<!tpu.dma_semaphore, #tpu.memory_space<semaphore_mem>>)
        %dma_wait3A_1233 = arith.constant 0 : i32
        %dma_wait3A_1234 = tpu.memref_slice %arg8[%dma_wait3A_1233] : memref<3472xi32, #tpu.memory_space<vmem>> -> memref<128xi32, #tpu.memory_space<vmem>>
        %dma_wait3A_1235 = arith.constant 1999872 : i32
        %dma_wait3A_1236 = tpu.memref_slice %arg3[%dma_wait3A_1235] : memref<2000000xi32, #tpu.memory_space<hbm>> -> memref<128xi32, #tpu.memory_space<hbm>>
        %dma_wait3A_1237 = arith.constant 0 : i32
        %dma_wait3A_1238 = tpu.memref_slice %arg8[%dma_wait3A_1237] : memref<3472xi32, #tpu.memory_space<vmem>> -> memref<128xi32, #tpu.memory_space<vmem>>
        %dma_wait3A_1239 = arith.constant 1999872 : i32
        %dma_wait3A_1240 = tpu.memref_slice %arg3[%dma_wait3A_1239] : memref<2000000xi32, #tpu.memory_space<hbm>> -> memref<128xi32, #tpu.memory_space<hbm>>
        tpu.wait_dma2 semaphore(%run_scoped3A : memref<!tpu.dma_semaphore, #tpu.memory_space<semaphore_mem>>) src(%dma_wait3A_1240 : memref<128xi32, #tpu.memory_space<hbm>>) dst(%dma_wait3A_1238 : memref<128xi32, #tpu.memory_space<vmem>>)
        tpu.yield
      }) : () -> ()
      %parallel_loop3A_1222 = arith.constant 0 : i32
      %parallel_loop3A_1223 = arith.constant 128 : i32
      %parallel_loop3A_1224 = arith.constant 16 : i32
      scf.for %parallel_loop3A_1225 = %parallel_loop3A_1222 to %parallel_loop3A_1223 step %parallel_loop3A_1224  : i32 {
        %parallel_loop3A_1226 = arith.index_cast %parallel_loop3A_1225 : i32 to index
        %parallel_loop3A_1227 = tpu.vector_load %arg8[%parallel_loop3A_1226] {strides = array<i32>} : memref<3472xi32, #tpu.memory_space<vmem>>, vector<16xi32>,
        %parallel_loop3A_1228 = arith.index_cast %parallel_loop3A_1225 : i32 to index
        %parallel_loop3A_1229 = tpu.vector_load %arg5[%parallel_loop3A_1228] {strides = array<i32>} : memref<3472xf32, #tpu.memory_space<vmem>>, vector<16xf32>,
        tpu.vector_store_idx %arg11[%iota3A, %parallel_loop3A_1227], %parallel_loop3A_1229 {add = true} : memref<16x128xf32, #tpu.memory_space<vmem>>[vector<16xi32>, vector<16xi32>], vector<16xf32>,
      } {sc.loop_unroll_factor = 1 : i64, sc.parallel_access}
    } else {
    }
    %get3A = arith.constant 0 : i32
    %get3A_575 = arith.index_cast %get3A : i32 to index
    %get3A_576 = arith.constant 0 : index
    %get3A_577 = tpu.vector_load %arg11[%get3A_575, %get3A_576] {strides = array<i32>} : memref<16x128xf32, #tpu.memory_space<vmem>>, vector<16xf32>,
    %get3A_578 = arith.constant 1 : i32
    %get3A_579 = arith.index_cast %get3A_578 : i32 to index
    %get3A_580 = arith.constant 0 : index
    %get3A_581 = tpu.vector_load %arg11[%get3A_579, %get3A_580] {strides = array<i32>} : memref<16x128xf32, #tpu.memory_space<vmem>>, vector<16xf32>,
    %add3A_582 = arith.addf %get3A_577, %get3A_581 : vector<16xf32>
    %get3A_583 = arith.constant 2 : i32
    %get3A_584 = arith.index_cast %get3A_583 : i32 to index
    %get3A_585 = arith.constant 0 : index
    %get3A_586 = tpu.vector_load %arg11[%get3A_584, %get3A_585] {strides = array<i32>} : memref<16x128xf32, #tpu.memory_space<vmem>>, vector<16xf32>,
    %add3A_587 = arith.addf %add3A_582, %get3A_586 : vector<16xf32>
    %get3A_588 = arith.constant 3 : i32
    %get3A_589 = arith.index_cast %get3A_588 : i32 to index
    %get3A_590 = arith.constant 0 : index
    %get3A_591 = tpu.vector_load %arg11[%get3A_589, %get3A_590] {strides = array<i32>} : memref<16x128xf32, #tpu.memory_space<vmem>>, vector<16xf32>,
    %add3A_592 = arith.addf %add3A_587, %get3A_591 : vector<16xf32>
    %get3A_593 = arith.constant 4 : i32
    %get3A_594 = arith.index_cast %get3A_593 : i32 to index
    %get3A_595 = arith.constant 0 : index
    %get3A_596 = tpu.vector_load %arg11[%get3A_594, %get3A_595] {strides = array<i32>} : memref<16x128xf32, #tpu.memory_space<vmem>>, vector<16xf32>,
    %add3A_597 = arith.addf %add3A_592, %get3A_596 : vector<16xf32>
    %get3A_598 = arith.constant 5 : i32
    %get3A_599 = arith.index_cast %get3A_598 : i32 to index
    %get3A_600 = arith.constant 0 : index
    %get3A_601 = tpu.vector_load %arg11[%get3A_599, %get3A_600] {strides = array<i32>} : memref<16x128xf32, #tpu.memory_space<vmem>>, vector<16xf32>,
    %add3A_602 = arith.addf %add3A_597, %get3A_601 : vector<16xf32>
    %get3A_603 = arith.constant 6 : i32
    %get3A_604 = arith.index_cast %get3A_603 : i32 to index
    %get3A_605 = arith.constant 0 : index
    %get3A_606 = tpu.vector_load %arg11[%get3A_604, %get3A_605] {strides = array<i32>} : memref<16x128xf32, #tpu.memory_space<vmem>>, vector<16xf32>,
    %add3A_607 = arith.addf %add3A_602, %get3A_606 : vector<16xf32>
    %get3A_608 = arith.constant 7 : i32
    %get3A_609 = arith.index_cast %get3A_608 : i32 to index
    %get3A_610 = arith.constant 0 : index
    %get3A_611 = tpu.vector_load %arg11[%get3A_609, %get3A_610] {strides = array<i32>} : memref<16x128xf32, #tpu.memory_space<vmem>>, vector<16xf32>,
    %add3A_612 = arith.addf %add3A_607, %get3A_611 : vector<16xf32>
    %get3A_613 = arith.constant 8 : i32
    %get3A_614 = arith.index_cast %get3A_613 : i32 to index
    %get3A_615 = arith.constant 0 : index
    %get3A_616 = tpu.vector_load %arg11[%get3A_614, %get3A_615] {strides = array<i32>} : memref<16x128xf32, #tpu.memory_space<vmem>>, vector<16xf32>,
    %add3A_617 = arith.addf %add3A_612, %get3A_616 : vector<16xf32>
    %get3A_618 = arith.constant 9 : i32
    %get3A_619 = arith.index_cast %get3A_618 : i32 to index
    %get3A_620 = arith.constant 0 : index
    %get3A_621 = tpu.vector_load %arg11[%get3A_619, %get3A_620] {strides = array<i32>} : memref<16x128xf32, #tpu.memory_space<vmem>>, vector<16xf32>,
    %add3A_622 = arith.addf %add3A_617, %get3A_621 : vector<16xf32>
    %get3A_623 = arith.constant 10 : i32
    %get3A_624 = arith.index_cast %get3A_623 : i32 to index
    %get3A_625 = arith.constant 0 : index
    %get3A_626 = tpu.vector_load %arg11[%get3A_624, %get3A_625] {strides = array<i32>} : memref<16x128xf32, #tpu.memory_space<vmem>>, vector<16xf32>,
    %add3A_627 = arith.addf %add3A_622, %get3A_626 : vector<16xf32>
    %get3A_628 = arith.constant 11 : i32
    %get3A_629 = arith.index_cast %get3A_628 : i32 to index
    %get3A_630 = arith.constant 0 : index
    %get3A_631 = tpu.vector_load %arg11[%get3A_629, %get3A_630] {strides = array<i32>} : memref<16x128xf32, #tpu.memory_space<vmem>>, vector<16xf32>,
    %add3A_632 = arith.addf %add3A_627, %get3A_631 : vector<16xf32>
    %get3A_633 = arith.constant 12 : i32
    %get3A_634 = arith.index_cast %get3A_633 : i32 to index
    %get3A_635 = arith.constant 0 : index
    %get3A_636 = tpu.vector_load %arg11[%get3A_634, %get3A_635] {strides = array<i32>} : memref<16x128xf32, #tpu.memory_space<vmem>>, vector<16xf32>,
    %add3A_637 = arith.addf %add3A_632, %get3A_636 : vector<16xf32>
    %get3A_638 = arith.constant 13 : i32
    %get3A_639 = arith.index_cast %get3A_638 : i32 to index
    %get3A_640 = arith.constant 0 : index
    %get3A_641 = tpu.vector_load %arg11[%get3A_639, %get3A_640] {strides = array<i32>} : memref<16x128xf32, #tpu.memory_space<vmem>>, vector<16xf32>,
    %add3A_642 = arith.addf %add3A_637, %get3A_641 : vector<16xf32>
    %get3A_643 = arith.constant 14 : i32
    %get3A_644 = arith.index_cast %get3A_643 : i32 to index
    %get3A_645 = arith.constant 0 : index
    %get3A_646 = tpu.vector_load %arg11[%get3A_644, %get3A_645] {strides = array<i32>} : memref<16x128xf32, #tpu.memory_space<vmem>>, vector<16xf32>,
    %add3A_647 = arith.addf %add3A_642, %get3A_646 : vector<16xf32>
    %get3A_648 = arith.constant 15 : i32
    %get3A_649 = arith.index_cast %get3A_648 : i32 to index
    %get3A_650 = arith.constant 0 : index
    %get3A_651 = tpu.vector_load %arg11[%get3A_649, %get3A_650] {strides = array<i32>} : memref<16x128xf32, #tpu.memory_space<vmem>>, vector<16xf32>,
    %add3A_652 = arith.addf %add3A_647, %get3A_651 : vector<16xf32>
    %swap3A_653 = arith.constant 0 : index
    %swap3A_654 = tpu.vector_load %arg12[%swap3A_653] {strides = array<i32>} : memref<128xf32, #tpu.memory_space<vmem>>, vector<16xf32>,
    tpu.vector_store %arg12[%swap3A_653], %add3A_652 {strides = array<i32>} : memref<128xf32, #tpu.memory_space<vmem>>, vector<16xf32>,
    %get3A_655 = arith.constant 0 : i32
    %get3A_656 = arith.index_cast %get3A_655 : i32 to index
    %get3A_657 = arith.constant 16 : index
    %get3A_658 = tpu.vector_load %arg11[%get3A_656, %get3A_657] {strides = array<i32>} : memref<16x128xf32, #tpu.memory_space<vmem>>, vector<16xf32>,
    %get3A_659 = arith.constant 1 : i32
    %get3A_660 = arith.index_cast %get3A_659 : i32 to index
    %get3A_661 = arith.constant 16 : index
    %get3A_662 = tpu.vector_load %arg11[%get3A_660, %get3A_661] {strides = array<i32>} : memref<16x128xf32, #tpu.memory_space<vmem>>, vector<16xf32>,
    %add3A_663 = arith.addf %get3A_658, %get3A_662 : vector<16xf32>
    %get3A_664 = arith.constant 2 : i32
    %get3A_665 = arith.index_cast %get3A_664 : i32 to index
    %get3A_666 = arith.constant 16 : index
    %get3A_667 = tpu.vector_load %arg11[%get3A_665, %get3A_666] {strides = array<i32>} : memref<16x128xf32, #tpu.memory_space<vmem>>, vector<16xf32>,
    %add3A_668 = arith.addf %add3A_663, %get3A_667 : vector<16xf32>
    %get3A_669 = arith.constant 3 : i32
    %get3A_670 = arith.index_cast %get3A_669 : i32 to index
    %get3A_671 = arith.constant 16 : index
    %get3A_672 = tpu.vector_load %arg11[%get3A_670, %get3A_671] {strides = array<i32>} : memref<16x128xf32, #tpu.memory_space<vmem>>, vector<16xf32>,
    %add3A_673 = arith.addf %add3A_668, %get3A_672 : vector<16xf32>
    %get3A_674 = arith.constant 4 : i32
    %get3A_675 = arith.index_cast %get3A_674 : i32 to index
    %get3A_676 = arith.constant 16 : index
    %get3A_677 = tpu.vector_load %arg11[%get3A_675, %get3A_676] {strides = array<i32>} : memref<16x128xf32, #tpu.memory_space<vmem>>, vector<16xf32>,
    %add3A_678 = arith.addf %add3A_673, %get3A_677 : vector<16xf32>
    %get3A_679 = arith.constant 5 : i32
    %get3A_680 = arith.index_cast %get3A_679 : i32 to index
    %get3A_681 = arith.constant 16 : index
    %get3A_682 = tpu.vector_load %arg11[%get3A_680, %get3A_681] {strides = array<i32>} : memref<16x128xf32, #tpu.memory_space<vmem>>, vector<16xf32>,
    %add3A_683 = arith.addf %add3A_678, %get3A_682 : vector<16xf32>
    %get3A_684 = arith.constant 6 : i32
    %get3A_685 = arith.index_cast %get3A_684 : i32 to index
    %get3A_686 = arith.constant 16 : index
    %get3A_687 = tpu.vector_load %arg11[%get3A_685, %get3A_686] {strides = array<i32>} : memref<16x128xf32, #tpu.memory_space<vmem>>, vector<16xf32>,
    %add3A_688 = arith.addf %add3A_683, %get3A_687 : vector<16xf32>
    %get3A_689 = arith.constant 7 : i32
    %get3A_690 = arith.index_cast %get3A_689 : i32 to index
    %get3A_691 = arith.constant 16 : index
    %get3A_692 = tpu.vector_load %arg11[%get3A_690, %get3A_691] {strides = array<i32>} : memref<16x128xf32, #tpu.memory_space<vmem>>, vector<16xf32>,
    %add3A_693 = arith.addf %add3A_688, %get3A_692 : vector<16xf32>
    %get3A_694 = arith.constant 8 : i32
    %get3A_695 = arith.index_cast %get3A_694 : i32 to index
    %get3A_696 = arith.constant 16 : index
    %get3A_697 = tpu.vector_load %arg11[%get3A_695, %get3A_696] {strides = array<i32>} : memref<16x128xf32, #tpu.memory_space<vmem>>, vector<16xf32>,
    %add3A_698 = arith.addf %add3A_693, %get3A_697 : vector<16xf32>
    %get3A_699 = arith.constant 9 : i32
    %get3A_700 = arith.index_cast %get3A_699 : i32 to index
    %get3A_701 = arith.constant 16 : index
    %get3A_702 = tpu.vector_load %arg11[%get3A_700, %get3A_701] {strides = array<i32>} : memref<16x128xf32, #tpu.memory_space<vmem>>, vector<16xf32>,
    %add3A_703 = arith.addf %add3A_698, %get3A_702 : vector<16xf32>
    %get3A_704 = arith.constant 10 : i32
    %get3A_705 = arith.index_cast %get3A_704 : i32 to index
    %get3A_706 = arith.constant 16 : index
    %get3A_707 = tpu.vector_load %arg11[%get3A_705, %get3A_706] {strides = array<i32>} : memref<16x128xf32, #tpu.memory_space<vmem>>, vector<16xf32>,
    %add3A_708 = arith.addf %add3A_703, %get3A_707 : vector<16xf32>
    %get3A_709 = arith.constant 11 : i32
    %get3A_710 = arith.index_cast %get3A_709 : i32 to index
    %get3A_711 = arith.constant 16 : index
    %get3A_712 = tpu.vector_load %arg11[%get3A_710, %get3A_711] {strides = array<i32>} : memref<16x128xf32, #tpu.memory_space<vmem>>, vector<16xf32>,
    %add3A_713 = arith.addf %add3A_708, %get3A_712 : vector<16xf32>
    %get3A_714 = arith.constant 12 : i32
    %get3A_715 = arith.index_cast %get3A_714 : i32 to index
    %get3A_716 = arith.constant 16 : index
    %get3A_717 = tpu.vector_load %arg11[%get3A_715, %get3A_716] {strides = array<i32>} : memref<16x128xf32, #tpu.memory_space<vmem>>, vector<16xf32>,
    %add3A_718 = arith.addf %add3A_713, %get3A_717 : vector<16xf32>
    %get3A_719 = arith.constant 13 : i32
    %get3A_720 = arith.index_cast %get3A_719 : i32 to index
    %get3A_721 = arith.constant 16 : index
    %get3A_722 = tpu.vector_load %arg11[%get3A_720, %get3A_721] {strides = array<i32>} : memref<16x128xf32, #tpu.memory_space<vmem>>, vector<16xf32>,
    %add3A_723 = arith.addf %add3A_718, %get3A_722 : vector<16xf32>
    %get3A_724 = arith.constant 14 : i32
    %get3A_725 = arith.index_cast %get3A_724 : i32 to index
    %get3A_726 = arith.constant 16 : index
    %get3A_727 = tpu.vector_load %arg11[%get3A_725, %get3A_726] {strides = array<i32>} : memref<16x128xf32, #tpu.memory_space<vmem>>, vector<16xf32>,
    %add3A_728 = arith.addf %add3A_723, %get3A_727 : vector<16xf32>
    %get3A_729 = arith.constant 15 : i32
    %get3A_730 = arith.index_cast %get3A_729 : i32 to index
    %get3A_731 = arith.constant 16 : index
    %get3A_732 = tpu.vector_load %arg11[%get3A_730, %get3A_731] {strides = array<i32>} : memref<16x128xf32, #tpu.memory_space<vmem>>, vector<16xf32>,
    %add3A_733 = arith.addf %add3A_728, %get3A_732 : vector<16xf32>
    %swap3A_734 = arith.constant 16 : index
    %swap3A_735 = tpu.vector_load %arg12[%swap3A_734] {strides = array<i32>} : memref<128xf32, #tpu.memory_space<vmem>>, vector<16xf32>,
    tpu.vector_store %arg12[%swap3A_734], %add3A_733 {strides = array<i32>} : memref<128xf32, #tpu.memory_space<vmem>>, vector<16xf32>,
    %get3A_736 = arith.constant 0 : i32
    %get3A_737 = arith.index_cast %get3A_736 : i32 to index
    %get3A_738 = arith.constant 32 : index
    %get3A_739 = tpu.vector_load %arg11[%get3A_737, %get3A_738] {strides = array<i32>} : memref<16x128xf32, #tpu.memory_space<vmem>>, vector<16xf32>,
    %get3A_740 = arith.constant 1 : i32
    %get3A_741 = arith.index_cast %get3A_740 : i32 to index
    %get3A_742 = arith.constant 32 : index
    %get3A_743 = tpu.vector_load %arg11[%get3A_741, %get3A_742] {strides = array<i32>} : memref<16x128xf32, #tpu.memory_space<vmem>>, vector<16xf32>,
    %add3A_744 = arith.addf %get3A_739, %get3A_743 : vector<16xf32>
    %get3A_745 = arith.constant 2 : i32
    %get3A_746 = arith.index_cast %get3A_745 : i32 to index
    %get3A_747 = arith.constant 32 : index
    %get3A_748 = tpu.vector_load %arg11[%get3A_746, %get3A_747] {strides = array<i32>} : memref<16x128xf32, #tpu.memory_space<vmem>>, vector<16xf32>,
    %add3A_749 = arith.addf %add3A_744, %get3A_748 : vector<16xf32>
    %get3A_750 = arith.constant 3 : i32
    %get3A_751 = arith.index_cast %get3A_750 : i32 to index
    %get3A_752 = arith.constant 32 : index
    %get3A_753 = tpu.vector_load %arg11[%get3A_751, %get3A_752] {strides = array<i32>} : memref<16x128xf32, #tpu.memory_space<vmem>>, vector<16xf32>,
    %add3A_754 = arith.addf %add3A_749, %get3A_753 : vector<16xf32>
    %get3A_755 = arith.constant 4 : i32
    %get3A_756 = arith.index_cast %get3A_755 : i32 to index
    %get3A_757 = arith.constant 32 : index
    %get3A_758 = tpu.vector_load %arg11[%get3A_756, %get3A_757] {strides = array<i32>} : memref<16x128xf32, #tpu.memory_space<vmem>>, vector<16xf32>,
    %add3A_759 = arith.addf %add3A_754, %get3A_758 : vector<16xf32>
    %get3A_760 = arith.constant 5 : i32
    %get3A_761 = arith.index_cast %get3A_760 : i32 to index
    %get3A_762 = arith.constant 32 : index
    %get3A_763 = tpu.vector_load %arg11[%get3A_761, %get3A_762] {strides = array<i32>} : memref<16x128xf32, #tpu.memory_space<vmem>>, vector<16xf32>,
    %add3A_764 = arith.addf %add3A_759, %get3A_763 : vector<16xf32>
    %get3A_765 = arith.constant 6 : i32
    %get3A_766 = arith.index_cast %get3A_765 : i32 to index
    %get3A_767 = arith.constant 32 : index
    %get3A_768 = tpu.vector_load %arg11[%get3A_766, %get3A_767] {strides = array<i32>} : memref<16x128xf32, #tpu.memory_space<vmem>>, vector<16xf32>,
    %add3A_769 = arith.addf %add3A_764, %get3A_768 : vector<16xf32>
    %get3A_770 = arith.constant 7 : i32
    %get3A_771 = arith.index_cast %get3A_770 : i32 to index
    %get3A_772 = arith.constant 32 : index
    %get3A_773 = tpu.vector_load %arg11[%get3A_771, %get3A_772] {strides = array<i32>} : memref<16x128xf32, #tpu.memory_space<vmem>>, vector<16xf32>,
    %add3A_774 = arith.addf %add3A_769, %get3A_773 : vector<16xf32>
    %get3A_775 = arith.constant 8 : i32
    %get3A_776 = arith.index_cast %get3A_775 : i32 to index
    %get3A_777 = arith.constant 32 : index
    %get3A_778 = tpu.vector_load %arg11[%get3A_776, %get3A_777] {strides = array<i32>} : memref<16x128xf32, #tpu.memory_space<vmem>>, vector<16xf32>,
    %add3A_779 = arith.addf %add3A_774, %get3A_778 : vector<16xf32>
    %get3A_780 = arith.constant 9 : i32
    %get3A_781 = arith.index_cast %get3A_780 : i32 to index
    %get3A_782 = arith.constant 32 : index
    %get3A_783 = tpu.vector_load %arg11[%get3A_781, %get3A_782] {strides = array<i32>} : memref<16x128xf32, #tpu.memory_space<vmem>>, vector<16xf32>,
    %add3A_784 = arith.addf %add3A_779, %get3A_783 : vector<16xf32>
    %get3A_785 = arith.constant 10 : i32
    %get3A_786 = arith.index_cast %get3A_785 : i32 to index
    %get3A_787 = arith.constant 32 : index
    %get3A_788 = tpu.vector_load %arg11[%get3A_786, %get3A_787] {strides = array<i32>} : memref<16x128xf32, #tpu.memory_space<vmem>>, vector<16xf32>,
    %add3A_789 = arith.addf %add3A_784, %get3A_788 : vector<16xf32>
    %get3A_790 = arith.constant 11 : i32
    %get3A_791 = arith.index_cast %get3A_790 : i32 to index
    %get3A_792 = arith.constant 32 : index
    %get3A_793 = tpu.vector_load %arg11[%get3A_791, %get3A_792] {strides = array<i32>} : memref<16x128xf32, #tpu.memory_space<vmem>>, vector<16xf32>,
    %add3A_794 = arith.addf %add3A_789, %get3A_793 : vector<16xf32>
    %get3A_795 = arith.constant 12 : i32
    %get3A_796 = arith.index_cast %get3A_795 : i32 to index
    %get3A_797 = arith.constant 32 : index
    %get3A_798 = tpu.vector_load %arg11[%get3A_796, %get3A_797] {strides = array<i32>} : memref<16x128xf32, #tpu.memory_space<vmem>>, vector<16xf32>,
    %add3A_799 = arith.addf %add3A_794, %get3A_798 : vector<16xf32>
    %get3A_800 = arith.constant 13 : i32
    %get3A_801 = arith.index_cast %get3A_800 : i32 to index
    %get3A_802 = arith.constant 32 : index
    %get3A_803 = tpu.vector_load %arg11[%get3A_801, %get3A_802] {strides = array<i32>} : memref<16x128xf32, #tpu.memory_space<vmem>>, vector<16xf32>,
    %add3A_804 = arith.addf %add3A_799, %get3A_803 : vector<16xf32>
    %get3A_805 = arith.constant 14 : i32
    %get3A_806 = arith.index_cast %get3A_805 : i32 to index
    %get3A_807 = arith.constant 32 : index
    %get3A_808 = tpu.vector_load %arg11[%get3A_806, %get3A_807] {strides = array<i32>} : memref<16x128xf32, #tpu.memory_space<vmem>>, vector<16xf32>,
    %add3A_809 = arith.addf %add3A_804, %get3A_808 : vector<16xf32>
    %get3A_810 = arith.constant 15 : i32
    %get3A_811 = arith.index_cast %get3A_810 : i32 to index
    %get3A_812 = arith.constant 32 : index
    %get3A_813 = tpu.vector_load %arg11[%get3A_811, %get3A_812] {strides = array<i32>} : memref<16x128xf32, #tpu.memory_space<vmem>>, vector<16xf32>,
    %add3A_814 = arith.addf %add3A_809, %get3A_813 : vector<16xf32>
    %swap3A_815 = arith.constant 32 : index
    %swap3A_816 = tpu.vector_load %arg12[%swap3A_815] {strides = array<i32>} : memref<128xf32, #tpu.memory_space<vmem>>, vector<16xf32>,
    tpu.vector_store %arg12[%swap3A_815], %add3A_814 {strides = array<i32>} : memref<128xf32, #tpu.memory_space<vmem>>, vector<16xf32>,
    %get3A_817 = arith.constant 0 : i32
    %get3A_818 = arith.index_cast %get3A_817 : i32 to index
    %get3A_819 = arith.constant 48 : index
    %get3A_820 = tpu.vector_load %arg11[%get3A_818, %get3A_819] {strides = array<i32>} : memref<16x128xf32, #tpu.memory_space<vmem>>, vector<16xf32>,
    %get3A_821 = arith.constant 1 : i32
    %get3A_822 = arith.index_cast %get3A_821 : i32 to index
    %get3A_823 = arith.constant 48 : index
    %get3A_824 = tpu.vector_load %arg11[%get3A_822, %get3A_823] {strides = array<i32>} : memref<16x128xf32, #tpu.memory_space<vmem>>, vector<16xf32>,
    %add3A_825 = arith.addf %get3A_820, %get3A_824 : vector<16xf32>
    %get3A_826 = arith.constant 2 : i32
    %get3A_827 = arith.index_cast %get3A_826 : i32 to index
    %get3A_828 = arith.constant 48 : index
    %get3A_829 = tpu.vector_load %arg11[%get3A_827, %get3A_828] {strides = array<i32>} : memref<16x128xf32, #tpu.memory_space<vmem>>, vector<16xf32>,
    %add3A_830 = arith.addf %add3A_825, %get3A_829 : vector<16xf32>
    %get3A_831 = arith.constant 3 : i32
    %get3A_832 = arith.index_cast %get3A_831 : i32 to index
    %get3A_833 = arith.constant 48 : index
    %get3A_834 = tpu.vector_load %arg11[%get3A_832, %get3A_833] {strides = array<i32>} : memref<16x128xf32, #tpu.memory_space<vmem>>, vector<16xf32>,
    %add3A_835 = arith.addf %add3A_830, %get3A_834 : vector<16xf32>
    %get3A_836 = arith.constant 4 : i32
    %get3A_837 = arith.index_cast %get3A_836 : i32 to index
    %get3A_838 = arith.constant 48 : index
    %get3A_839 = tpu.vector_load %arg11[%get3A_837, %get3A_838] {strides = array<i32>} : memref<16x128xf32, #tpu.memory_space<vmem>>, vector<16xf32>,
    %add3A_840 = arith.addf %add3A_835, %get3A_839 : vector<16xf32>
    %get3A_841 = arith.constant 5 : i32
    %get3A_842 = arith.index_cast %get3A_841 : i32 to index
    %get3A_843 = arith.constant 48 : index
    %get3A_844 = tpu.vector_load %arg11[%get3A_842, %get3A_843] {strides = array<i32>} : memref<16x128xf32, #tpu.memory_space<vmem>>, vector<16xf32>,
    %add3A_845 = arith.addf %add3A_840, %get3A_844 : vector<16xf32>
    %get3A_846 = arith.constant 6 : i32
    %get3A_847 = arith.index_cast %get3A_846 : i32 to index
    %get3A_848 = arith.constant 48 : index
    %get3A_849 = tpu.vector_load %arg11[%get3A_847, %get3A_848] {strides = array<i32>} : memref<16x128xf32, #tpu.memory_space<vmem>>, vector<16xf32>,
    %add3A_850 = arith.addf %add3A_845, %get3A_849 : vector<16xf32>
    %get3A_851 = arith.constant 7 : i32
    %get3A_852 = arith.index_cast %get3A_851 : i32 to index
    %get3A_853 = arith.constant 48 : index
    %get3A_854 = tpu.vector_load %arg11[%get3A_852, %get3A_853] {strides = array<i32>} : memref<16x128xf32, #tpu.memory_space<vmem>>, vector<16xf32>,
    %add3A_855 = arith.addf %add3A_850, %get3A_854 : vector<16xf32>
    %get3A_856 = arith.constant 8 : i32
    %get3A_857 = arith.index_cast %get3A_856 : i32 to index
    %get3A_858 = arith.constant 48 : index
    %get3A_859 = tpu.vector_load %arg11[%get3A_857, %get3A_858] {strides = array<i32>} : memref<16x128xf32, #tpu.memory_space<vmem>>, vector<16xf32>,
    %add3A_860 = arith.addf %add3A_855, %get3A_859 : vector<16xf32>
    %get3A_861 = arith.constant 9 : i32
    %get3A_862 = arith.index_cast %get3A_861 : i32 to index
    %get3A_863 = arith.constant 48 : index
    %get3A_864 = tpu.vector_load %arg11[%get3A_862, %get3A_863] {strides = array<i32>} : memref<16x128xf32, #tpu.memory_space<vmem>>, vector<16xf32>,
    %add3A_865 = arith.addf %add3A_860, %get3A_864 : vector<16xf32>
    %get3A_866 = arith.constant 10 : i32
    %get3A_867 = arith.index_cast %get3A_866 : i32 to index
    %get3A_868 = arith.constant 48 : index
    %get3A_869 = tpu.vector_load %arg11[%get3A_867, %get3A_868] {strides = array<i32>} : memref<16x128xf32, #tpu.memory_space<vmem>>, vector<16xf32>,
    %add3A_870 = arith.addf %add3A_865, %get3A_869 : vector<16xf32>
    %get3A_871 = arith.constant 11 : i32
    %get3A_872 = arith.index_cast %get3A_871 : i32 to index
    %get3A_873 = arith.constant 48 : index
    %get3A_874 = tpu.vector_load %arg11[%get3A_872, %get3A_873] {strides = array<i32>} : memref<16x128xf32, #tpu.memory_space<vmem>>, vector<16xf32>,
    %add3A_875 = arith.addf %add3A_870, %get3A_874 : vector<16xf32>
    %get3A_876 = arith.constant 12 : i32
    %get3A_877 = arith.index_cast %get3A_876 : i32 to index
    %get3A_878 = arith.constant 48 : index
    %get3A_879 = tpu.vector_load %arg11[%get3A_877, %get3A_878] {strides = array<i32>} : memref<16x128xf32, #tpu.memory_space<vmem>>, vector<16xf32>,
    %add3A_880 = arith.addf %add3A_875, %get3A_879 : vector<16xf32>
    %get3A_881 = arith.constant 13 : i32
    %get3A_882 = arith.index_cast %get3A_881 : i32 to index
    %get3A_883 = arith.constant 48 : index
    %get3A_884 = tpu.vector_load %arg11[%get3A_882, %get3A_883] {strides = array<i32>} : memref<16x128xf32, #tpu.memory_space<vmem>>, vector<16xf32>,
    %add3A_885 = arith.addf %add3A_880, %get3A_884 : vector<16xf32>
    %get3A_886 = arith.constant 14 : i32
    %get3A_887 = arith.index_cast %get3A_886 : i32 to index
    %get3A_888 = arith.constant 48 : index
    %get3A_889 = tpu.vector_load %arg11[%get3A_887, %get3A_888] {strides = array<i32>} : memref<16x128xf32, #tpu.memory_space<vmem>>, vector<16xf32>,
    %add3A_890 = arith.addf %add3A_885, %get3A_889 : vector<16xf32>
    %get3A_891 = arith.constant 15 : i32
    %get3A_892 = arith.index_cast %get3A_891 : i32 to index
    %get3A_893 = arith.constant 48 : index
    %get3A_894 = tpu.vector_load %arg11[%get3A_892, %get3A_893] {strides = array<i32>} : memref<16x128xf32, #tpu.memory_space<vmem>>, vector<16xf32>,
    %add3A_895 = arith.addf %add3A_890, %get3A_894 : vector<16xf32>
    %swap3A_896 = arith.constant 48 : index
    %swap3A_897 = tpu.vector_load %arg12[%swap3A_896] {strides = array<i32>} : memref<128xf32, #tpu.memory_space<vmem>>, vector<16xf32>,
    tpu.vector_store %arg12[%swap3A_896], %add3A_895 {strides = array<i32>} : memref<128xf32, #tpu.memory_space<vmem>>, vector<16xf32>,
    %get3A_898 = arith.constant 0 : i32
    %get3A_899 = arith.index_cast %get3A_898 : i32 to index
    %get3A_900 = arith.constant 64 : index
    %get3A_901 = tpu.vector_load %arg11[%get3A_899, %get3A_900] {strides = array<i32>} : memref<16x128xf32, #tpu.memory_space<vmem>>, vector<16xf32>,
    %get3A_902 = arith.constant 1 : i32
    %get3A_903 = arith.index_cast %get3A_902 : i32 to index
    %get3A_904 = arith.constant 64 : index
    %get3A_905 = tpu.vector_load %arg11[%get3A_903, %get3A_904] {strides = array<i32>} : memref<16x128xf32, #tpu.memory_space<vmem>>, vector<16xf32>,
    %add3A_906 = arith.addf %get3A_901, %get3A_905 : vector<16xf32>
    %get3A_907 = arith.constant 2 : i32
    %get3A_908 = arith.index_cast %get3A_907 : i32 to index
    %get3A_909 = arith.constant 64 : index
    %get3A_910 = tpu.vector_load %arg11[%get3A_908, %get3A_909] {strides = array<i32>} : memref<16x128xf32, #tpu.memory_space<vmem>>, vector<16xf32>,
    %add3A_911 = arith.addf %add3A_906, %get3A_910 : vector<16xf32>
    %get3A_912 = arith.constant 3 : i32
    %get3A_913 = arith.index_cast %get3A_912 : i32 to index
    %get3A_914 = arith.constant 64 : index
    %get3A_915 = tpu.vector_load %arg11[%get3A_913, %get3A_914] {strides = array<i32>} : memref<16x128xf32, #tpu.memory_space<vmem>>, vector<16xf32>,
    %add3A_916 = arith.addf %add3A_911, %get3A_915 : vector<16xf32>
    %get3A_917 = arith.constant 4 : i32
    %get3A_918 = arith.index_cast %get3A_917 : i32 to index
    %get3A_919 = arith.constant 64 : index
    %get3A_920 = tpu.vector_load %arg11[%get3A_918, %get3A_919] {strides = array<i32>} : memref<16x128xf32, #tpu.memory_space<vmem>>, vector<16xf32>,
    %add3A_921 = arith.addf %add3A_916, %get3A_920 : vector<16xf32>
    %get3A_922 = arith.constant 5 : i32
    %get3A_923 = arith.index_cast %get3A_922 : i32 to index
    %get3A_924 = arith.constant 64 : index
    %get3A_925 = tpu.vector_load %arg11[%get3A_923, %get3A_924] {strides = array<i32>} : memref<16x128xf32, #tpu.memory_space<vmem>>, vector<16xf32>,
    %add3A_926 = arith.addf %add3A_921, %get3A_925 : vector<16xf32>
    %get3A_927 = arith.constant 6 : i32
    %get3A_928 = arith.index_cast %get3A_927 : i32 to index
    %get3A_929 = arith.constant 64 : index
    %get3A_930 = tpu.vector_load %arg11[%get3A_928, %get3A_929] {strides = array<i32>} : memref<16x128xf32, #tpu.memory_space<vmem>>, vector<16xf32>,
    %add3A_931 = arith.addf %add3A_926, %get3A_930 : vector<16xf32>
    %get3A_932 = arith.constant 7 : i32
    %get3A_933 = arith.index_cast %get3A_932 : i32 to index
    %get3A_934 = arith.constant 64 : index
    %get3A_935 = tpu.vector_load %arg11[%get3A_933, %get3A_934] {strides = array<i32>} : memref<16x128xf32, #tpu.memory_space<vmem>>, vector<16xf32>,
    %add3A_936 = arith.addf %add3A_931, %get3A_935 : vector<16xf32>
    %get3A_937 = arith.constant 8 : i32
    %get3A_938 = arith.index_cast %get3A_937 : i32 to index
    %get3A_939 = arith.constant 64 : index
    %get3A_940 = tpu.vector_load %arg11[%get3A_938, %get3A_939] {strides = array<i32>} : memref<16x128xf32, #tpu.memory_space<vmem>>, vector<16xf32>,
    %add3A_941 = arith.addf %add3A_936, %get3A_940 : vector<16xf32>
    %get3A_942 = arith.constant 9 : i32
    %get3A_943 = arith.index_cast %get3A_942 : i32 to index
    %get3A_944 = arith.constant 64 : index
    %get3A_945 = tpu.vector_load %arg11[%get3A_943, %get3A_944] {strides = array<i32>} : memref<16x128xf32, #tpu.memory_space<vmem>>, vector<16xf32>,
    %add3A_946 = arith.addf %add3A_941, %get3A_945 : vector<16xf32>
    %get3A_947 = arith.constant 10 : i32
    %get3A_948 = arith.index_cast %get3A_947 : i32 to index
    %get3A_949 = arith.constant 64 : index
    %get3A_950 = tpu.vector_load %arg11[%get3A_948, %get3A_949] {strides = array<i32>} : memref<16x128xf32, #tpu.memory_space<vmem>>, vector<16xf32>,
    %add3A_951 = arith.addf %add3A_946, %get3A_950 : vector<16xf32>
    %get3A_952 = arith.constant 11 : i32
    %get3A_953 = arith.index_cast %get3A_952 : i32 to index
    %get3A_954 = arith.constant 64 : index
    %get3A_955 = tpu.vector_load %arg11[%get3A_953, %get3A_954] {strides = array<i32>} : memref<16x128xf32, #tpu.memory_space<vmem>>, vector<16xf32>,
    %add3A_956 = arith.addf %add3A_951, %get3A_955 : vector<16xf32>
    %get3A_957 = arith.constant 12 : i32
    %get3A_958 = arith.index_cast %get3A_957 : i32 to index
    %get3A_959 = arith.constant 64 : index
    %get3A_960 = tpu.vector_load %arg11[%get3A_958, %get3A_959] {strides = array<i32>} : memref<16x128xf32, #tpu.memory_space<vmem>>, vector<16xf32>,
    %add3A_961 = arith.addf %add3A_956, %get3A_960 : vector<16xf32>
    %get3A_962 = arith.constant 13 : i32
    %get3A_963 = arith.index_cast %get3A_962 : i32 to index
    %get3A_964 = arith.constant 64 : index
    %get3A_965 = tpu.vector_load %arg11[%get3A_963, %get3A_964] {strides = array<i32>} : memref<16x128xf32, #tpu.memory_space<vmem>>, vector<16xf32>,
    %add3A_966 = arith.addf %add3A_961, %get3A_965 : vector<16xf32>
    %get3A_967 = arith.constant 14 : i32
    %get3A_968 = arith.index_cast %get3A_967 : i32 to index
    %get3A_969 = arith.constant 64 : index
    %get3A_970 = tpu.vector_load %arg11[%get3A_968, %get3A_969] {strides = array<i32>} : memref<16x128xf32, #tpu.memory_space<vmem>>, vector<16xf32>,
    %add3A_971 = arith.addf %add3A_966, %get3A_970 : vector<16xf32>
    %get3A_972 = arith.constant 15 : i32
    %get3A_973 = arith.index_cast %get3A_972 : i32 to index
    %get3A_974 = arith.constant 64 : index
    %get3A_975 = tpu.vector_load %arg11[%get3A_973, %get3A_974] {strides = array<i32>} : memref<16x128xf32, #tpu.memory_space<vmem>>, vector<16xf32>,
    %add3A_976 = arith.addf %add3A_971, %get3A_975 : vector<16xf32>
    %swap3A_977 = arith.constant 64 : index
    %swap3A_978 = tpu.vector_load %arg12[%swap3A_977] {strides = array<i32>} : memref<128xf32, #tpu.memory_space<vmem>>, vector<16xf32>,
    tpu.vector_store %arg12[%swap3A_977], %add3A_976 {strides = array<i32>} : memref<128xf32, #tpu.memory_space<vmem>>, vector<16xf32>,
    %get3A_979 = arith.constant 0 : i32
    %get3A_980 = arith.index_cast %get3A_979 : i32 to index
    %get3A_981 = arith.constant 80 : index
    %get3A_982 = tpu.vector_load %arg11[%get3A_980, %get3A_981] {strides = array<i32>} : memref<16x128xf32, #tpu.memory_space<vmem>>, vector<16xf32>,
    %get3A_983 = arith.constant 1 : i32
    %get3A_984 = arith.index_cast %get3A_983 : i32 to index
    %get3A_985 = arith.constant 80 : index
    %get3A_986 = tpu.vector_load %arg11[%get3A_984, %get3A_985] {strides = array<i32>} : memref<16x128xf32, #tpu.memory_space<vmem>>, vector<16xf32>,
    %add3A_987 = arith.addf %get3A_982, %get3A_986 : vector<16xf32>
    %get3A_988 = arith.constant 2 : i32
    %get3A_989 = arith.index_cast %get3A_988 : i32 to index
    %get3A_990 = arith.constant 80 : index
    %get3A_991 = tpu.vector_load %arg11[%get3A_989, %get3A_990] {strides = array<i32>} : memref<16x128xf32, #tpu.memory_space<vmem>>, vector<16xf32>,
    %add3A_992 = arith.addf %add3A_987, %get3A_991 : vector<16xf32>
    %get3A_993 = arith.constant 3 : i32
    %get3A_994 = arith.index_cast %get3A_993 : i32 to index
    %get3A_995 = arith.constant 80 : index
    %get3A_996 = tpu.vector_load %arg11[%get3A_994, %get3A_995] {strides = array<i32>} : memref<16x128xf32, #tpu.memory_space<vmem>>, vector<16xf32>,
    %add3A_997 = arith.addf %add3A_992, %get3A_996 : vector<16xf32>
    %get3A_998 = arith.constant 4 : i32
    %get3A_999 = arith.index_cast %get3A_998 : i32 to index
    %get3A_1000 = arith.constant 80 : index
    %get3A_1001 = tpu.vector_load %arg11[%get3A_999, %get3A_1000] {strides = array<i32>} : memref<16x128xf32, #tpu.memory_space<vmem>>, vector<16xf32>,
    %add3A_1002 = arith.addf %add3A_997, %get3A_1001 : vector<16xf32>
    %get3A_1003 = arith.constant 5 : i32
    %get3A_1004 = arith.index_cast %get3A_1003 : i32 to index
    %get3A_1005 = arith.constant 80 : index
    %get3A_1006 = tpu.vector_load %arg11[%get3A_1004, %get3A_1005] {strides = array<i32>} : memref<16x128xf32, #tpu.memory_space<vmem>>, vector<16xf32>,
    %add3A_1007 = arith.addf %add3A_1002, %get3A_1006 : vector<16xf32>
    %get3A_1008 = arith.constant 6 : i32
    %get3A_1009 = arith.index_cast %get3A_1008 : i32 to index
    %get3A_1010 = arith.constant 80 : index
    %get3A_1011 = tpu.vector_load %arg11[%get3A_1009, %get3A_1010] {strides = array<i32>} : memref<16x128xf32, #tpu.memory_space<vmem>>, vector<16xf32>,
    %add3A_1012 = arith.addf %add3A_1007, %get3A_1011 : vector<16xf32>
    %get3A_1013 = arith.constant 7 : i32
    %get3A_1014 = arith.index_cast %get3A_1013 : i32 to index
    %get3A_1015 = arith.constant 80 : index
    %get3A_1016 = tpu.vector_load %arg11[%get3A_1014, %get3A_1015] {strides = array<i32>} : memref<16x128xf32, #tpu.memory_space<vmem>>, vector<16xf32>,
    %add3A_1017 = arith.addf %add3A_1012, %get3A_1016 : vector<16xf32>
    %get3A_1018 = arith.constant 8 : i32
    %get3A_1019 = arith.index_cast %get3A_1018 : i32 to index
    %get3A_1020 = arith.constant 80 : index
    %get3A_1021 = tpu.vector_load %arg11[%get3A_1019, %get3A_1020] {strides = array<i32>} : memref<16x128xf32, #tpu.memory_space<vmem>>, vector<16xf32>,
    %add3A_1022 = arith.addf %add3A_1017, %get3A_1021 : vector<16xf32>
    %get3A_1023 = arith.constant 9 : i32
    %get3A_1024 = arith.index_cast %get3A_1023 : i32 to index
    %get3A_1025 = arith.constant 80 : index
    %get3A_1026 = tpu.vector_load %arg11[%get3A_1024, %get3A_1025] {strides = array<i32>} : memref<16x128xf32, #tpu.memory_space<vmem>>, vector<16xf32>,
    %add3A_1027 = arith.addf %add3A_1022, %get3A_1026 : vector<16xf32>
    %get3A_1028 = arith.constant 10 : i32
    %get3A_1029 = arith.index_cast %get3A_1028 : i32 to index
    %get3A_1030 = arith.constant 80 : index
    %get3A_1031 = tpu.vector_load %arg11[%get3A_1029, %get3A_1030] {strides = array<i32>} : memref<16x128xf32, #tpu.memory_space<vmem>>, vector<16xf32>,
    %add3A_1032 = arith.addf %add3A_1027, %get3A_1031 : vector<16xf32>
    %get3A_1033 = arith.constant 11 : i32
    %get3A_1034 = arith.index_cast %get3A_1033 : i32 to index
    %get3A_1035 = arith.constant 80 : index
    %get3A_1036 = tpu.vector_load %arg11[%get3A_1034, %get3A_1035] {strides = array<i32>} : memref<16x128xf32, #tpu.memory_space<vmem>>, vector<16xf32>,
    %add3A_1037 = arith.addf %add3A_1032, %get3A_1036 : vector<16xf32>
    %get3A_1038 = arith.constant 12 : i32
    %get3A_1039 = arith.index_cast %get3A_1038 : i32 to index
    %get3A_1040 = arith.constant 80 : index
    %get3A_1041 = tpu.vector_load %arg11[%get3A_1039, %get3A_1040] {strides = array<i32>} : memref<16x128xf32, #tpu.memory_space<vmem>>, vector<16xf32>,
    %add3A_1042 = arith.addf %add3A_1037, %get3A_1041 : vector<16xf32>
    %get3A_1043 = arith.constant 13 : i32
    %get3A_1044 = arith.index_cast %get3A_1043 : i32 to index
    %get3A_1045 = arith.constant 80 : index
    %get3A_1046 = tpu.vector_load %arg11[%get3A_1044, %get3A_1045] {strides = array<i32>} : memref<16x128xf32, #tpu.memory_space<vmem>>, vector<16xf32>,
    %add3A_1047 = arith.addf %add3A_1042, %get3A_1046 : vector<16xf32>
    %get3A_1048 = arith.constant 14 : i32
    %get3A_1049 = arith.index_cast %get3A_1048 : i32 to index
    %get3A_1050 = arith.constant 80 : index
    %get3A_1051 = tpu.vector_load %arg11[%get3A_1049, %get3A_1050] {strides = array<i32>} : memref<16x128xf32, #tpu.memory_space<vmem>>, vector<16xf32>,
    %add3A_1052 = arith.addf %add3A_1047, %get3A_1051 : vector<16xf32>
    %get3A_1053 = arith.constant 15 : i32
    %get3A_1054 = arith.index_cast %get3A_1053 : i32 to index
    %get3A_1055 = arith.constant 80 : index
    %get3A_1056 = tpu.vector_load %arg11[%get3A_1054, %get3A_1055] {strides = array<i32>} : memref<16x128xf32, #tpu.memory_space<vmem>>, vector<16xf32>,
    %add3A_1057 = arith.addf %add3A_1052, %get3A_1056 : vector<16xf32>
    %swap3A_1058 = arith.constant 80 : index
    %swap3A_1059 = tpu.vector_load %arg12[%swap3A_1058] {strides = array<i32>} : memref<128xf32, #tpu.memory_space<vmem>>, vector<16xf32>,
    tpu.vector_store %arg12[%swap3A_1058], %add3A_1057 {strides = array<i32>} : memref<128xf32, #tpu.memory_space<vmem>>, vector<16xf32>,
    %get3A_1060 = arith.constant 0 : i32
    %get3A_1061 = arith.index_cast %get3A_1060 : i32 to index
    %get3A_1062 = arith.constant 96 : index
    %get3A_1063 = tpu.vector_load %arg11[%get3A_1061, %get3A_1062] {strides = array<i32>} : memref<16x128xf32, #tpu.memory_space<vmem>>, vector<16xf32>,
    %get3A_1064 = arith.constant 1 : i32
    %get3A_1065 = arith.index_cast %get3A_1064 : i32 to index
    %get3A_1066 = arith.constant 96 : index
    %get3A_1067 = tpu.vector_load %arg11[%get3A_1065, %get3A_1066] {strides = array<i32>} : memref<16x128xf32, #tpu.memory_space<vmem>>, vector<16xf32>,
    %add3A_1068 = arith.addf %get3A_1063, %get3A_1067 : vector<16xf32>
    %get3A_1069 = arith.constant 2 : i32
    %get3A_1070 = arith.index_cast %get3A_1069 : i32 to index
    %get3A_1071 = arith.constant 96 : index
    %get3A_1072 = tpu.vector_load %arg11[%get3A_1070, %get3A_1071] {strides = array<i32>} : memref<16x128xf32, #tpu.memory_space<vmem>>, vector<16xf32>,
    %add3A_1073 = arith.addf %add3A_1068, %get3A_1072 : vector<16xf32>
    %get3A_1074 = arith.constant 3 : i32
    %get3A_1075 = arith.index_cast %get3A_1074 : i32 to index
    %get3A_1076 = arith.constant 96 : index
    %get3A_1077 = tpu.vector_load %arg11[%get3A_1075, %get3A_1076] {strides = array<i32>} : memref<16x128xf32, #tpu.memory_space<vmem>>, vector<16xf32>,
    %add3A_1078 = arith.addf %add3A_1073, %get3A_1077 : vector<16xf32>
    %get3A_1079 = arith.constant 4 : i32
    %get3A_1080 = arith.index_cast %get3A_1079 : i32 to index
    %get3A_1081 = arith.constant 96 : index
    %get3A_1082 = tpu.vector_load %arg11[%get3A_1080, %get3A_1081] {strides = array<i32>} : memref<16x128xf32, #tpu.memory_space<vmem>>, vector<16xf32>,
    %add3A_1083 = arith.addf %add3A_1078, %get3A_1082 : vector<16xf32>
    %get3A_1084 = arith.constant 5 : i32
    %get3A_1085 = arith.index_cast %get3A_1084 : i32 to index
    %get3A_1086 = arith.constant 96 : index
    %get3A_1087 = tpu.vector_load %arg11[%get3A_1085, %get3A_1086] {strides = array<i32>} : memref<16x128xf32, #tpu.memory_space<vmem>>, vector<16xf32>,
    %add3A_1088 = arith.addf %add3A_1083, %get3A_1087 : vector<16xf32>
    %get3A_1089 = arith.constant 6 : i32
    %get3A_1090 = arith.index_cast %get3A_1089 : i32 to index
    %get3A_1091 = arith.constant 96 : index
    %get3A_1092 = tpu.vector_load %arg11[%get3A_1090, %get3A_1091] {strides = array<i32>} : memref<16x128xf32, #tpu.memory_space<vmem>>, vector<16xf32>,
    %add3A_1093 = arith.addf %add3A_1088, %get3A_1092 : vector<16xf32>
    %get3A_1094 = arith.constant 7 : i32
    %get3A_1095 = arith.index_cast %get3A_1094 : i32 to index
    %get3A_1096 = arith.constant 96 : index
    %get3A_1097 = tpu.vector_load %arg11[%get3A_1095, %get3A_1096] {strides = array<i32>} : memref<16x128xf32, #tpu.memory_space<vmem>>, vector<16xf32>,
    %add3A_1098 = arith.addf %add3A_1093, %get3A_1097 : vector<16xf32>
    %get3A_1099 = arith.constant 8 : i32
    %get3A_1100 = arith.index_cast %get3A_1099 : i32 to index
    %get3A_1101 = arith.constant 96 : index
    %get3A_1102 = tpu.vector_load %arg11[%get3A_1100, %get3A_1101] {strides = array<i32>} : memref<16x128xf32, #tpu.memory_space<vmem>>, vector<16xf32>,
    %add3A_1103 = arith.addf %add3A_1098, %get3A_1102 : vector<16xf32>
    %get3A_1104 = arith.constant 9 : i32
    %get3A_1105 = arith.index_cast %get3A_1104 : i32 to index
    %get3A_1106 = arith.constant 96 : index
    %get3A_1107 = tpu.vector_load %arg11[%get3A_1105, %get3A_1106] {strides = array<i32>} : memref<16x128xf32, #tpu.memory_space<vmem>>, vector<16xf32>,
    %add3A_1108 = arith.addf %add3A_1103, %get3A_1107 : vector<16xf32>
    %get3A_1109 = arith.constant 10 : i32
    %get3A_1110 = arith.index_cast %get3A_1109 : i32 to index
    %get3A_1111 = arith.constant 96 : index
    %get3A_1112 = tpu.vector_load %arg11[%get3A_1110, %get3A_1111] {strides = array<i32>} : memref<16x128xf32, #tpu.memory_space<vmem>>, vector<16xf32>,
    %add3A_1113 = arith.addf %add3A_1108, %get3A_1112 : vector<16xf32>
    %get3A_1114 = arith.constant 11 : i32
    %get3A_1115 = arith.index_cast %get3A_1114 : i32 to index
    %get3A_1116 = arith.constant 96 : index
    %get3A_1117 = tpu.vector_load %arg11[%get3A_1115, %get3A_1116] {strides = array<i32>} : memref<16x128xf32, #tpu.memory_space<vmem>>, vector<16xf32>,
    %add3A_1118 = arith.addf %add3A_1113, %get3A_1117 : vector<16xf32>
    %get3A_1119 = arith.constant 12 : i32
    %get3A_1120 = arith.index_cast %get3A_1119 : i32 to index
    %get3A_1121 = arith.constant 96 : index
    %get3A_1122 = tpu.vector_load %arg11[%get3A_1120, %get3A_1121] {strides = array<i32>} : memref<16x128xf32, #tpu.memory_space<vmem>>, vector<16xf32>,
    %add3A_1123 = arith.addf %add3A_1118, %get3A_1122 : vector<16xf32>
    %get3A_1124 = arith.constant 13 : i32
    %get3A_1125 = arith.index_cast %get3A_1124 : i32 to index
    %get3A_1126 = arith.constant 96 : index
    %get3A_1127 = tpu.vector_load %arg11[%get3A_1125, %get3A_1126] {strides = array<i32>} : memref<16x128xf32, #tpu.memory_space<vmem>>, vector<16xf32>,
    %add3A_1128 = arith.addf %add3A_1123, %get3A_1127 : vector<16xf32>
    %get3A_1129 = arith.constant 14 : i32
    %get3A_1130 = arith.index_cast %get3A_1129 : i32 to index
    %get3A_1131 = arith.constant 96 : index
    %get3A_1132 = tpu.vector_load %arg11[%get3A_1130, %get3A_1131] {strides = array<i32>} : memref<16x128xf32, #tpu.memory_space<vmem>>, vector<16xf32>,
    %add3A_1133 = arith.addf %add3A_1128, %get3A_1132 : vector<16xf32>
    %get3A_1134 = arith.constant 15 : i32
    %get3A_1135 = arith.index_cast %get3A_1134 : i32 to index
    %get3A_1136 = arith.constant 96 : index
    %get3A_1137 = tpu.vector_load %arg11[%get3A_1135, %get3A_1136] {strides = array<i32>} : memref<16x128xf32, #tpu.memory_space<vmem>>, vector<16xf32>,
    %add3A_1138 = arith.addf %add3A_1133, %get3A_1137 : vector<16xf32>
    %swap3A_1139 = arith.constant 96 : index
    %swap3A_1140 = tpu.vector_load %arg12[%swap3A_1139] {strides = array<i32>} : memref<128xf32, #tpu.memory_space<vmem>>, vector<16xf32>,
    tpu.vector_store %arg12[%swap3A_1139], %add3A_1138 {strides = array<i32>} : memref<128xf32, #tpu.memory_space<vmem>>, vector<16xf32>,
    %get3A_1141 = arith.constant 0 : i32
    %get3A_1142 = arith.index_cast %get3A_1141 : i32 to index
    %get3A_1143 = arith.constant 112 : index
    %get3A_1144 = tpu.vector_load %arg11[%get3A_1142, %get3A_1143] {strides = array<i32>} : memref<16x128xf32, #tpu.memory_space<vmem>>, vector<16xf32>,
    %get3A_1145 = arith.constant 1 : i32
    %get3A_1146 = arith.index_cast %get3A_1145 : i32 to index
    %get3A_1147 = arith.constant 112 : index
    %get3A_1148 = tpu.vector_load %arg11[%get3A_1146, %get3A_1147] {strides = array<i32>} : memref<16x128xf32, #tpu.memory_space<vmem>>, vector<16xf32>,
    %add3A_1149 = arith.addf %get3A_1144, %get3A_1148 : vector<16xf32>
    %get3A_1150 = arith.constant 2 : i32
    %get3A_1151 = arith.index_cast %get3A_1150 : i32 to index
    %get3A_1152 = arith.constant 112 : index
    %get3A_1153 = tpu.vector_load %arg11[%get3A_1151, %get3A_1152] {strides = array<i32>} : memref<16x128xf32, #tpu.memory_space<vmem>>, vector<16xf32>,
    %add3A_1154 = arith.addf %add3A_1149, %get3A_1153 : vector<16xf32>
    %get3A_1155 = arith.constant 3 : i32
    %get3A_1156 = arith.index_cast %get3A_1155 : i32 to index
    %get3A_1157 = arith.constant 112 : index
    %get3A_1158 = tpu.vector_load %arg11[%get3A_1156, %get3A_1157] {strides = array<i32>} : memref<16x128xf32, #tpu.memory_space<vmem>>, vector<16xf32>,
    %add3A_1159 = arith.addf %add3A_1154, %get3A_1158 : vector<16xf32>
    %get3A_1160 = arith.constant 4 : i32
    %get3A_1161 = arith.index_cast %get3A_1160 : i32 to index
    %get3A_1162 = arith.constant 112 : index
    %get3A_1163 = tpu.vector_load %arg11[%get3A_1161, %get3A_1162] {strides = array<i32>} : memref<16x128xf32, #tpu.memory_space<vmem>>, vector<16xf32>,
    %add3A_1164 = arith.addf %add3A_1159, %get3A_1163 : vector<16xf32>
    %get3A_1165 = arith.constant 5 : i32
    %get3A_1166 = arith.index_cast %get3A_1165 : i32 to index
    %get3A_1167 = arith.constant 112 : index
    %get3A_1168 = tpu.vector_load %arg11[%get3A_1166, %get3A_1167] {strides = array<i32>} : memref<16x128xf32, #tpu.memory_space<vmem>>, vector<16xf32>,
    %add3A_1169 = arith.addf %add3A_1164, %get3A_1168 : vector<16xf32>
    %get3A_1170 = arith.constant 6 : i32
    %get3A_1171 = arith.index_cast %get3A_1170 : i32 to index
    %get3A_1172 = arith.constant 112 : index
    %get3A_1173 = tpu.vector_load %arg11[%get3A_1171, %get3A_1172] {strides = array<i32>} : memref<16x128xf32, #tpu.memory_space<vmem>>, vector<16xf32>,
    %add3A_1174 = arith.addf %add3A_1169, %get3A_1173 : vector<16xf32>
    %get3A_1175 = arith.constant 7 : i32
    %get3A_1176 = arith.index_cast %get3A_1175 : i32 to index
    %get3A_1177 = arith.constant 112 : index
    %get3A_1178 = tpu.vector_load %arg11[%get3A_1176, %get3A_1177] {strides = array<i32>} : memref<16x128xf32, #tpu.memory_space<vmem>>, vector<16xf32>,
    %add3A_1179 = arith.addf %add3A_1174, %get3A_1178 : vector<16xf32>
    %get3A_1180 = arith.constant 8 : i32
    %get3A_1181 = arith.index_cast %get3A_1180 : i32 to index
    %get3A_1182 = arith.constant 112 : index
    %get3A_1183 = tpu.vector_load %arg11[%get3A_1181, %get3A_1182] {strides = array<i32>} : memref<16x128xf32, #tpu.memory_space<vmem>>, vector<16xf32>,
    %add3A_1184 = arith.addf %add3A_1179, %get3A_1183 : vector<16xf32>
    %get3A_1185 = arith.constant 9 : i32
    %get3A_1186 = arith.index_cast %get3A_1185 : i32 to index
    %get3A_1187 = arith.constant 112 : index
    %get3A_1188 = tpu.vector_load %arg11[%get3A_1186, %get3A_1187] {strides = array<i32>} : memref<16x128xf32, #tpu.memory_space<vmem>>, vector<16xf32>,
    %add3A_1189 = arith.addf %add3A_1184, %get3A_1188 : vector<16xf32>
    %get3A_1190 = arith.constant 10 : i32
    %get3A_1191 = arith.index_cast %get3A_1190 : i32 to index
    %get3A_1192 = arith.constant 112 : index
    %get3A_1193 = tpu.vector_load %arg11[%get3A_1191, %get3A_1192] {strides = array<i32>} : memref<16x128xf32, #tpu.memory_space<vmem>>, vector<16xf32>,
    %add3A_1194 = arith.addf %add3A_1189, %get3A_1193 : vector<16xf32>
    %get3A_1195 = arith.constant 11 : i32
    %get3A_1196 = arith.index_cast %get3A_1195 : i32 to index
    %get3A_1197 = arith.constant 112 : index
    %get3A_1198 = tpu.vector_load %arg11[%get3A_1196, %get3A_1197] {strides = array<i32>} : memref<16x128xf32, #tpu.memory_space<vmem>>, vector<16xf32>,
    %add3A_1199 = arith.addf %add3A_1194, %get3A_1198 : vector<16xf32>
    %get3A_1200 = arith.constant 12 : i32
    %get3A_1201 = arith.index_cast %get3A_1200 : i32 to index
    %get3A_1202 = arith.constant 112 : index
    %get3A_1203 = tpu.vector_load %arg11[%get3A_1201, %get3A_1202] {strides = array<i32>} : memref<16x128xf32, #tpu.memory_space<vmem>>, vector<16xf32>,
    %add3A_1204 = arith.addf %add3A_1199, %get3A_1203 : vector<16xf32>
    %get3A_1205 = arith.constant 13 : i32
    %get3A_1206 = arith.index_cast %get3A_1205 : i32 to index
    %get3A_1207 = arith.constant 112 : index
    %get3A_1208 = tpu.vector_load %arg11[%get3A_1206, %get3A_1207] {strides = array<i32>} : memref<16x128xf32, #tpu.memory_space<vmem>>, vector<16xf32>,
    %add3A_1209 = arith.addf %add3A_1204, %get3A_1208 : vector<16xf32>
    %get3A_1210 = arith.constant 14 : i32
    %get3A_1211 = arith.index_cast %get3A_1210 : i32 to index
    %get3A_1212 = arith.constant 112 : index
    %get3A_1213 = tpu.vector_load %arg11[%get3A_1211, %get3A_1212] {strides = array<i32>} : memref<16x128xf32, #tpu.memory_space<vmem>>, vector<16xf32>,
    %add3A_1214 = arith.addf %add3A_1209, %get3A_1213 : vector<16xf32>
    %get3A_1215 = arith.constant 15 : i32
    %get3A_1216 = arith.index_cast %get3A_1215 : i32 to index
    %get3A_1217 = arith.constant 112 : index
    %get3A_1218 = tpu.vector_load %arg11[%get3A_1216, %get3A_1217] {strides = array<i32>} : memref<16x128xf32, #tpu.memory_space<vmem>>, vector<16xf32>,
    %add3A_1219 = arith.addf %add3A_1214, %get3A_1218 : vector<16xf32>
    %swap3A_1220 = arith.constant 112 : index
    %swap3A_1221 = tpu.vector_load %arg12[%swap3A_1220] {strides = array<i32>} : memref<128xf32, #tpu.memory_space<vmem>>, vector<16xf32>,
    tpu.vector_store %arg12[%swap3A_1220], %add3A_1219 {strides = array<i32>} : memref<128xf32, #tpu.memory_space<vmem>>, vector<16xf32>,
    "tpu.region"() ({
      %run_scoped3A = tpu.sem_alloc : memref<!tpu.dma_semaphore, #tpu.memory_space<semaphore_mem>>
      %dma_start3A_1222 = arith.constant 0 : i32
      %dma_start3A_1223 = tpu.memref_slice %arg4[%add3A, %dma_start3A_1222] : memref<32x128xf32, #tpu.memory_space<hbm>> -> memref<1x128xf32, #tpu.memory_space<hbm>>
      %dma_start3A_1224 = tpu.memref_squeeze %dma_start3A_1223 : memref<1x128xf32, #tpu.memory_space<hbm>> -> memref<128xf32, #tpu.memory_space<hbm>>
      %dma_start3A_1225 = arith.constant 0 : i32
      %dma_start3A_1226 = tpu.memref_slice %arg4[%add3A, %dma_start3A_1225] : memref<32x128xf32, #tpu.memory_space<hbm>> -> memref<1x128xf32, #tpu.memory_space<hbm>>
      %dma_start3A_1227 = tpu.memref_squeeze %dma_start3A_1226 : memref<1x128xf32, #tpu.memory_space<hbm>> -> memref<128xf32, #tpu.memory_space<hbm>>
      tpu.enqueue_dma source(%arg12 : memref<128xf32, #tpu.memory_space<vmem>>) target(%dma_start3A_1227 : memref<128xf32, #tpu.memory_space<hbm>>) target_semaphore(%run_scoped3A : memref<!tpu.dma_semaphore, #tpu.memory_space<semaphore_mem>>)
      %dma_wait3A_1228 = arith.constant 0 : i32
      %dma_wait3A_1229 = tpu.memref_slice %arg4[%add3A, %dma_wait3A_1228] : memref<32x128xf32, #tpu.memory_space<hbm>> -> memref<1x128xf32, #tpu.memory_space<hbm>>
      %dma_wait3A_1230 = tpu.memref_squeeze %dma_wait3A_1229 : memref<1x128xf32, #tpu.memory_space<hbm>> -> memref<128xf32, #tpu.memory_space<hbm>>
      %dma_wait3A_1231 = arith.constant 0 : i32
      %dma_wait3A_1232 = tpu.memref_slice %arg4[%add3A, %dma_wait3A_1231] : memref<32x128xf32, #tpu.memory_space<hbm>> -> memref<1x128xf32, #tpu.memory_space<hbm>>
      %dma_wait3A_1233 = tpu.memref_squeeze %dma_wait3A_1232 : memref<1x128xf32, #tpu.memory_space<hbm>> -> memref<128xf32, #tpu.memory_space<hbm>>
      tpu.wait_dma2 semaphore(%run_scoped3A : memref<!tpu.dma_semaphore, #tpu.memory_space<semaphore_mem>>) src(%arg12 : memref<128xf32, #tpu.memory_space<vmem>>) dst(%dma_wait3A_1233 : memref<128xf32, #tpu.memory_space<hbm>>)
      tpu.yield
    }) : () -> ()
    return
  }
}

module attributes {stable_mosaic.version = 14 : i64} {
  func.func @body(%arg0: memref<32x128xf32, #tpu.memory_space<vmem>>, %arg1: memref<1x128xf32, #tpu.memory_space<vmem>>) attributes {dimension_semantics = [], scalar_prefetch = 0 : i64, scratch_operands = 0 : i64, tpu.core_type = #tpu.core_type<tc>} {
    %get3A = arith.constant 0 : index
    %get3A_0 = arith.constant 0 : index
    %get3A_1 = vector.load %arg0[%get3A, %get3A_0] : memref<32x128xf32, #tpu.memory_space<vmem>>, vector<32x128xf32>
    %reduce_sum3A = arith.constant dense<0.000000e+00> : vector<128xf32>
    %reduce_sum3A_2 = vector.multi_reduction <add>, %get3A_1, %reduce_sum3A [0] : vector<32x128xf32> to vector<128xf32>
    %broadcast_in_dim3A = vector.shape_cast %reduce_sum3A_2 : vector<128xf32> to vector<1x128xf32>
    %swap3A = arith.constant 0 : index
    %swap3A_3 = arith.constant 0 : index
    %swap3A_4 = vector.load %arg1[%swap3A, %swap3A_3] : memref<1x128xf32, #tpu.memory_space<vmem>>, vector<1x128xf32>
    tpu.vector_store %arg1[%swap3A, %swap3A_3], %broadcast_in_dim3A {strides = array<i32>} : memref<1x128xf32, #tpu.memory_space<vmem>>, vector<1x128xf32>,
    return
  }
}

</mosaic_0001>

<sc_bundles>
// kernel: kernel.4.cloned.1.call-start
scs
__scs_entry_jumppad:
0x0: {  	(pc) =	sbr.rel $0x88, $3  }
0x1: {  	(tag) =	ssettag $0x0;
	lr =	simm.s32 $0x1  }
0x2: {  	[smem:$0x3F9F] =	sst lr;
	_ =	strace $0xD0000000  }
0x3: {  	_ = 	snop  }
0x4: {  	_ = 	snop  }
0x5: {  	_ = 	snop  }
0x6: {  	_ = 	snop  }
0x7: {  	_ = 	snop  }
__scs_overlays_trampoline_lowered:
0x8: {  	[smem:$0x3FAE] =	sst s0  }
0x9: {  	[smem:$0x3FAF] =	sst s1  }
0xa: {  	[smem:$0x3FB0] =	sst s2  }
0xb: {  	[smem:$0x3FB1] =	sst s3  }
0xc: {  	[smem:$0x3FB2] =	sst s4  }
0xd: {  	[smem:$0x3FB3] =	sst s5  }
0xe: {  	[smem:$0x3FB4] =	sst s6  }
0xf: {  	[smem:$0x3FB5] =	sst s7  }
0x10: {  	[smem:$0x3FB6] =	sst s8  }
0x11: {  	[smem:$0x3FB7] =	sst s9;
	s0 =	simm.s32 @!p0 $0x0  }
0x12: {  	s1 =	sld [smem:$0x3F9D];
	s0 =	simm.s32 @p0 $0x1  }
0x13: {  	[smem:$0x3FB8] =	sst s0;
	s0 =	simm.s32 @!p1 $0x0  }
0x14: {  	s2 =	sld [smem:$0x3F9C];
	s0 =	simm.s32 @p1 $0x1  }
0x15: {  	[smem:$0x3FB9] =	sst s0;
	s0 =	simm.s32 @!p2 $0x0  }
0x16: {  	s3 =	sld [smem:$0x3FDB];
	s0 =	simm.s32 @p2 $0x1  }
0x17: {  	s4 =	simm.s32 $0x1BF5;
	[smem:$0x3FBB] =	sst s0  }
0x18: {  	s0 =	sld [smem:$0x3F9E];
	_ =	swait.ge [sflag:s4], $0x0  }
0x19: {  	s7 =	sld [smem:$0x3F9F]  }
0x1a: {  	s8 =	sadd.s32 $0xFFFFE003, lr  }
0x1b: {  	s9 =	sadd.s32 $0xFFFFFEF7, lr;
	s5 =	simm.s32 $0xFFFFFFFF;
	p2 =	slt.u32 s8, $0xFFFFF086  }
0x1c: {  	p1 =	slt.u32 s9, $0xF7A;
	s5 =	simm.s32 @!p2 $0x0  }
0x1d: {  	s5 =	simm.s32 @p1 $0x1;
	p0 =	seq.s32 s7, s2  }
0x1e: {  	s7 =	smul.u32 @!p0 $0xF7A, s2;
	p2 =	seq.s32 @!p0 s5, $0x0  }
0x1f: {  	s9 =	smul.u32 $0xF7A, s1;
	s8 =	simm.s32 @!p0 $0x1BF5;
	p2 =	por !p2, p0  }
0x20: {  	[sflag:s8] =	ssyncset.s32 @!p0 $0xFFFFF086;
	s6 =	sadd.s32 @!p0 s3, s7;
	s7 =	simm.s32 @!p0 $0x108  }
0x21: {  	s3 =	sadd.s32 s3, s9;
	s6 =	sadd.s32 @!p0 $0x88, s6;
	s7 =	simm.s32 @p2 $0x1082  }
0x22: {  	[simem:s7], [sflag:s8] =	dma.local @!p0 [hbm:s6], $0xF7A  }
0x23: {  	s9 =	sor.u32 $0xD0000000, s2;
	s6 =	simm.s32 $0x108;
	_ =	swait.ge @!p0 [sflag:s8], $0x0  }
0x24: {  	s3 =	sadd.s32 $0x88, s3;
	s6 =	simm.s32 @!p1 $0x1082;
	[sflag:s4] =	ssyncset.s32 $0xFFFFF086  }
0x25: {  	[simem:s6], [sflag:s4] =	dma.local [hbm:s3], $0xF7A  }
0x26: {  	[smem:$0x3F9F] =	sst s1;
	(tag) =	ssettag s2;
	_ =	strace s9  }
0x27: {  	s1 =	sld [smem:$0x3FAF]  }
0x28: {  	s2 =	sld [smem:$0x3FB0]  }
0x29: {  	s4 =	sld [smem:$0x3FB2]  }
0x2a: {  	p0 =	seq.s32 s5, $0x0;
	s5 =	sld [smem:$0x3FB3]  }
0x2b: {  	s6 =	sld [smem:$0x3FB4]  }
0x2c: {  	s7 =	sld [smem:$0x3FB5]  }
0x2d: {  	s3 =	simm.s32 $0x108;
	s8 =	sld [smem:$0x3FB6]  }
0x2e: {  	s3 =	simm.s32 @!p0 $0x1082;
	s9 =	sld [smem:$0x3FB7]  }
0x2f: {  	lr =	sadd.s32 s0, s3;
	s0 =	sld [smem:$0x3FAE]  }
0x30: {  	s3 =	sld [smem:$0x3FB1]  }
0x31: {  	[smem:$0x3FBA] =	sst s10  }
0x32: {  	s10 =	sld [smem:$0x3FB8];
	_ =	sdelay $0x3  }
0x33: {  	p0 =	seq.s32 s10, $0x1;
	s10 =	sld [smem:$0x3FBA];
	_ =	sdelay $0x3  }
0x34: {  	[smem:$0x3FBA] =	sst s10  }
0x35: {  	s10 =	sld [smem:$0x3FB9];
	_ =	sdelay $0x3  }
0x36: {  	p1 =	seq.s32 s10, $0x1;
	s10 =	sld [smem:$0x3FBA];
	_ =	sdelay $0x3  }
0x37: {  	[smem:$0x3FBA] =	sst s10  }
0x38: {  	s10 =	sld [smem:$0x3FBB]  }
0x39: {  	_ = 	snop;
	(pc) =	sbr.ind lr, $3  }
0x3a: {  	_ = 	snop  }
0x3b: {  	_ = 	snop  }
0x3c: {  	p2 =	seq.s32 s10, $0x1;
	s10 =	sld [smem:$0x3FBA]  }
0x3d: {  	_ =	shalt  }
0x3e: {  	_ =	shalt  }
0x3f: {  	_ =	shalt  }
0x40: {  	_ =	shalt  }
0x41: {  	_ =	shalt  }
0x42: {  	_ =	shalt  }
0x43: {  	_ =	shalt  }
0x44: {  	_ =	shalt  }
0x45: {  	_ =	shalt  }
0x46: {  	_ =	shalt  }
0x47: {  	_ =	shalt  }
0x48: {  	_ =	shalt  }
0x49: {  	_ =	shalt  }
0x4a: {  	_ =	shalt  }
0x4b: {  	_ =	shalt  }
0x4c: {  	_ =	shalt  }
0x4d: {  	_ =	shalt  }
0x4e: {  	_ =	shalt  }
0x4f: {  	_ =	shalt  }
0x50: {  	_ =	shalt  }
0x51: {  	_ =	shalt  }
0x52: {  	_ =	shalt  }
0x53: {  	_ =	shalt  }
0x54: {  	_ =	shalt  }
0x55: {  	_ =	shalt  }
0x56: {  	_ =	shalt  }
0x57: {  	_ =	shalt  }
0x58: {  	_ =	shalt  }
0x59: {  	_ =	shalt  }
0x5a: {  	_ =	shalt  }
0x5b: {  	_ =	shalt  }
0x5c: {  	_ =	shalt  }
0x5d: {  	_ =	shalt  }
0x5e: {  	_ =	shalt  }
0x5f: {  	_ =	shalt  }
0x60: {  	_ =	shalt  }
0x61: {  	_ =	shalt  }
0x62: {  	_ =	shalt  }
0x63: {  	_ =	shalt  }
0x64: {  	_ =	shalt  }
0x65: {  	_ =	shalt  }
0x66: {  	_ =	shalt  }
0x67: {  	_ =	shalt  }
0x68: {  	_ =	shalt  }
0x69: {  	_ =	shalt  }
0x6a: {  	_ =	shalt  }
0x6b: {  	_ =	shalt  }
0x6c: {  	_ =	shalt  }
0x6d: {  	_ =	shalt  }
0x6e: {  	_ =	shalt  }
0x6f: {  	_ =	shalt  }
0x70: {  	_ =	shalt  }
0x71: {  	_ =	shalt  }
0x72: {  	_ =	shalt  }
0x73: {  	_ =	shalt  }
0x74: {  	_ =	shalt  }
0x75: {  	_ =	shalt  }
0x76: {  	_ =	shalt  }
0x77: {  	_ =	shalt  }
0x78: {  	_ =	shalt  }
0x79: {  	_ =	shalt  }
0x7a: {  	_ =	shalt  }
0x7b: {  	_ =	shalt  }
0x7c: {  	_ =	shalt  }
0x7d: {  	_ =	shalt  }
0x7e: {  	_ =	shalt  }
0x7f: {  	_ =	shalt  }
0x80: {  	_ =	shalt  }
0x81: {  	_ =	shalt  }
0x82: {  	_ =	shalt  }
0x83: {  	_ =	shalt  }
0x84: {  	_ =	shalt  }
0x85: {  	_ =	shalt  }
0x86: {  	_ =	shalt  }
0x87: {  	_ =	shalt  }
.Lfunc_end0:
.L_simem_size_0:
called_computation_lowered:
.L_overlay_start_0:
0x88: {  	s2 =	sld [smem:$0x3FD9]  }
0x89: {  	s3 =	sld [smem:$0x3FFE];
	_ =	sdelay $0x1  }
0x8a: {  	s1 =	srdreg.scid  }
0x8b: {  	s0 =	sand.u32 $0x1, s1  }
0x8c: {  	s17 =	sshll.u32 s0, $0xA;
	s2 =	sadd.s32 s3, s2  }
0x8d: {  	s2 =	sadd.s32 s2, s17  }
0x8e: {  	[smem:$0x3FC6] =	sst s2  }
0x8f: {  	_ = 	snop  }
0x90: {  	s2 =	sld [smem:$0x3FC9]  }
0x91: {  	s18 =	sld [smem:$0x3FC8];
	(tm) =	ssettm $0x1  }
0x92: {  	s4 =	sld [smem:$0x3FFB];
	_ =	sdelay $0x3  }
0x93: {  	_ =	strace s4  }
0x94: {  	s4 =	sld [smem:$0x3FFC];
	_ =	sdelay $0x3  }
0x95: {  	_ =	strace s4  }
0x96: {  	s4 =	sld [smem:$0x3FFD];
	_ =	sdelay $0x3  }
0x97: {  	_ =	strace s4  }
0x98: {  	_ =	strace $0x8FFFFFFF  }
0x99: {  	s19 =	sld [smem:$0x3FDB];
	_ =	sdelay $0x1  }
0x9a: {  	s5 =	simm.s32 $_scs_section_size  }
0x9b: {  	s6 =	simm.s32 $_size__tile_overlayer_lowered;
	s7 =	simm.s32 $_tile_overlayer_lowered  }
0x9c: {  	s22 =	simm.s32 $0x1BFF;
	s21 =	sshll.u32 s7, $0x1;
	s4 =	sadd.s32 s5, s19  }
0x9d: {  	s8 =	simm.s32 $0x0;
	s20 =	sshll.u32 s6, $0x1;
	s6 =	sadd.s32 s21, s4  }
0x9e: {  	[timem:s8], [sflag:s22] =	dma.local [hbm:s6], s20  }
0x9f: {  	_ =	swait.ge [sflag:s22], s20  }
0xa0: {  	s5 =	ssub.s32 $0x0, s20;
	[sflag:s22] =	ssyncset.done $0x0  }
0xa1: {  	[sflag:s22] =	ssyncadd.s32 s5;
	_ =	sdelay $0x1  }
0xa2: {  	s23 =	simm.s32 $0x1B8B  }
0xa3: {  	_ =	swait.ge [sflag:s23], $0x1  }
0xa4: {  	[sflag:s23] =	ssyncset.done $0x0  }
0xa5: {  	s25 =	simm.s32 $0x1B8E;
	s24 =	sld [smem:$0x3FFE];
	[sflag:s23] =	ssyncadd.s32 $0xFFFFFFFF  }
0xa6: {  	s26 =	simm.s32 $execute0_lowered;
	[smem:$0x3FD2] =	sst s25  }
0xa7: {  	s6 =	sshll.u32 s26, $0x1;
	_ =	strace $0x80000046;
	[dreg:$0x1] =	wrdreg $0xFFFFFFFF  }
0xa8: {  	s28 =	simm.s32 $_size_execute0_lowered;
	s4 =	sadd.s32 s4, s6;
	[dreg:$0x0] =	wrdreg $0x0  }
0xa9: {  	s6 =	sshll.u32 s28, $0x1;
	[dreg:$0x2] =	wrdreg s4  }
0xaa: {  	[dreg:$0x3] =	wrdreg s6  }
0xab: {  	[dreg:$0x4] =	wrdreg $0xC0  }
0xac: {  	_ =	task [dreg:s8], $0x5FFFF  }
0xad: {  	[dreg:$0x1] =	wrdreg $0xFFFFFFFF  }
0xae: {  	[dreg:$0x0] =	wrdreg $0x60  }
0xaf: {  	[dreg:$0x2] =	wrdreg s2  }
0xb0: {  	[dreg:$0x3] =	wrdreg s18  }
0xb1: {  	[dreg:$0x4] =	wrdreg s24  }
0xb2: {  	[dreg:$0x5] =	wrdreg $0x9  }
0xb3: {  	_ =	task.clear_ibuf [dreg:s8], $0x6FFFF;
	_ =	strace $0x90000046  }
0xb4: {  	s29 =	simm.s32 $0x9;
	_ =	strace $0x80000048  }
0xb5: {  	_ =	swait.ge [sflag:s29], $0x1  }
0xb6: {  	[sflag:s29] =	ssyncadd.s32 $0xFFFFFFFF  }
0xb7: {  	_ =	strace $0x90000048  }
0xb8: {  	_ =	sfence  }
0xb9: {  	s30 =	sld [smem:$0x0];
	_ =	sdelay $0x2  }
0xba: {  	s31 =	sshll.u32 s1, $0xD;
	s1 =	sshrl.u32 s1, $0x2  }
0xbb: {  	s3 =	sand.u32 $0x4000, s31;
	s1 =	sadd.s32 s1, s30  }
0xbc: {  	s0 =	sor.u32 s3, s0;
	s1 =	sshll.u32 s1, $0x11  }
0xbd: {  	s0 =	sor.u32 s1, s0  }
0xbe: {  	s0 =	sadd.s32 $0x8F2B, s0  }
0xbf: {  	[sflag:s0] =	ssyncadd.remote.s32 $0x1  }
0xc0: {  	_ =	sfence.sel $0xFFFF  }
0xc1: {  	[dreg:$0x0] =	wrdreg $0xFFFFFFFF;
	(pc) =	sbr.abs _section_cstart, $3  }
0xc2: {  	[dreg:$0x1] =	wrdreg $0xFFFFFFFF  }
0xc3: {  	_ =	task.clear_ibuf [dreg:s8], $0x2FFFF;
	_ =	strace $0x9FFFFFFF  }
0xc4: {  	(tm) =	ssettm $0x7FFFFFFF  }
0xc5: {  	_ =	shalt  }
tec
execute0_lowered:
.L_overlay_start_1:
0x0: {  	(tag) =	ssettag $0x1  }
0x1: {  	s1 =	rddreg [dreg:$0x0]  }
0x2: {  	s3 =	rddreg [dreg:$0x1];
	s0 =	srdreg.scid  }
0x3: {  	s4 =	stileid.u32;
	s2 =	rddreg [dreg:$0x2]  }
0x4: {  	s18 =	simm.s32 $0x2A00;
	s19 =	simm.s32 $0xE00;
	s20 =	simm.s32 $0x3800  }
0x5: {  	s21 =	simm.s32 $0x1C00;
	s28 =	simm.s32 $0x5;
	s29 =	simm.s32 $0x3  }
0x6: {  	s30 =	simm.s32 $0x6;
	s31 =	simm.s32 $0x7;
	s0 =	sand.u32 $0x1, s0  }
0x7: {  	s5 =	sshll.u32 s4, $0x1;
	s4 =	simm.s32 $0x0;
	s25 =	sadd.s32 $0x3D080, s1  }
0x8: {  	s26 =	sadd.s32 $0x3D080, s3;
	s5 =	sor.u32 s0, s5;
	[smem:$0x7FF] =	sst s4  }
0x9: {  	s0 =	ssub.s32 $0x2, s0;
	s6 =	smul.u32 $0xF420, s5;
	_ =	strace $0x80000047  }
0xa: {  	s7 =	sshll.u32 s5, $0x4;
	s8 =	sshrl.u32 s0, $0x1;
	[dreg:$0x6] =	wrdreg s25  }
0xb: {  	[dreg:$0x7] =	wrdreg s26;
	p0 =	sne.s32 s5, $0x0;
	s25 =	simm.s32 $0x5400  }
0xc: {  	s26 =	simm.s32 $0x2;
	s2 =	sadd.s32 s7, s2;
	s0 =	ssub.s32 s0, s8  }
0xd: {  	s9 =	sshrl.u32 s6, $0x3;
	s11 =	sadd.s32 $0x28B0, s6;
	s12 =	sadd.s32 $0x3640, s6  }
0xe: {  	s13 =	sadd.s32 $0x43D0, s6;
	s16 =	sadd.s32 $0x600, s2;
	s17 =	smax.u32 s0, $0x1  }
.Ltmp0:
0xf: {  	s0 =	simm.s32 $0x0;
	s22 =	sadd.s32 s1, s9;
	(pc) =	sbr.rel .LBB2_1-.Ltmp0, $4  }
0x10: {  	s23 =	sadd.s32 s3, s9;
	s24 =	sadd.s32 $0x1B2, s9;
	[dreg:$0x4] =	wrdreg s22  }
0x11: {  	s10 =	sadd.s32 $0x364, s9;
	[dreg:$0x5] =	wrdreg s23;
	s7 =	sadd.s32 s1, s24  }
0x12: {  	v1 =	vlaneseq.u32;
	s8 =	sadd.s32 s3, s24;
	s9 =	sadd.s32 s1, s10;
	s10 =	sadd.s32 s3, s10  }
0x13: {  	v0 =	vimm.f32 $0.0e+00;
	v1 =	vmul.u32 $0x80, v1;
	s22 =	simm.s32 $0x4600;
	s23 =	simm.s32 $0x1;
	s24 =	simm.s32 $0x4  }
.LBB2_19:
0x14: {  	v2 =	vld [tilespmem:$0x5400]  }
0x15: {  	v3 =	vld [tilespmem:$0x5480]  }
0x16: {  	v4 =	vld [tilespmem:$0x5500]  }
0x17: {  	v5 =	vld [tilespmem:$0x5580]  }
0x18: {  	v11 =	vld [tilespmem:$0x5600]  }
0x19: {  	v12 =	vld [tilespmem:$0x5680]  }
0x1a: {  	v13 =	vld [tilespmem:$0x5700]  }
0x1b: {  	v15 =	vld [tilespmem:$0x5780]  }
0x1c: {  	v18 =	vld [tilespmem:$0x5800]  }
0x1d: {  	v20 =	vld [tilespmem:$0x5880]  }
0x1e: {  	v33 =	vld [tilespmem:$0x5900]  }
0x1f: {  	v6 =	vld [tilespmem:$0x5980]  }
0x20: {  	v43 =	vld [tilespmem:$0x5A00]  }
0x21: {  	v44 =	vld [tilespmem:$0x5A80]  }
0x22: {  	v45 =	vld [tilespmem:$0x5B00]  }
0x23: {  	v46 =	vld [tilespmem:$0x5B80]  }
0x24: {  	v7 =	vld [tilespmem:$0x5410]  }
0x25: {  	v9 =	vld [tilespmem:$0x5490]  }
0x26: {  	v21 =	vld [tilespmem:$0x5510]  }
0x27: {  	v22 =	vld [tilespmem:$0x5590]  }
0x28: {  	v23 =	vld [tilespmem:$0x5610]  }
0x29: {  	v24 =	vld [tilespmem:$0x5690]  }
0x2a: {  	v25 =	vld [tilespmem:$0x5710]  }
0x2b: {  	v26 =	vld [tilespmem:$0x5790]  }
0x2c: {  	v27 =	vld [tilespmem:$0x5810]  }
0x2d: {  	v28 =	vld [tilespmem:$0x5890]  }
0x2e: {  	v29 =	vld [tilespmem:$0x5910]  }
0x2f: {  	v30 =	vld [tilespmem:$0x5990]  }
0x30: {  	v32 =	vld [tilespmem:$0x5A10]  }
0x31: {  	v47 =	vld [tilespmem:$0x5A90]  }
0x32: {  	v48 =	vld [tilespmem:$0x5B10]  }
0x33: {  	v49 =	vld [tilespmem:$0x5B90]  }
0x34: {  	v10 =	vld [tilespmem:$0x5420]  }
0x35: {  	v35 =	vld [tilespmem:$0x54A0]  }
0x36: {  	v36 =	vld [tilespmem:$0x5520]  }
0x37: {  	v37 =	vld [tilespmem:$0x55A0]  }
0x38: {  	v38 =	vld [tilespmem:$0x5620]  }
0x39: {  	v39 =	vld [tilespmem:$0x56A0]  }
0x3a: {  	v40 =	vld [tilespmem:$0x5720]  }
0x3b: {  	v41 =	vld [tilespmem:$0x57A0]  }
0x3c: {  	v42 =	vld [tilespmem:$0x5820]  }
0x3d: {  	v50 =	vld [tilespmem:$0x5430]  }
0x3e: {  	v51 =	vld [tilespmem:$0x54B0]  }
0x3f: {  	v52 =	vld [tilespmem:$0x5530]  }
0x40: {  	v53 =	vld [tilespmem:$0x55B0]  }
0x41: {  	v54 =	vld [tilespmem:$0x5630]  }
0x42: {  	v55 =	vld [tilespmem:$0x56B0]  }
0x43: {  	v56 =	vld [tilespmem:$0x5730]  }
0x44: {  	v57 =	vld [tilespmem:$0x57B0]  }
0x45: {  	v58 =	vld [tilespmem:$0x5830]  }
0x46: {  	v59 =	vld [tilespmem:$0x58B0]  }
0x47: {  	v60 =	vld [tilespmem:$0x5930]  }
0x48: {  	v61 =	vld [tilespmem:$0x59B0]  }
0x49: {  	v62 =	vld [tilespmem:$0x5A30]  }
0x4a: {  	v63 =	vld [tilespmem:$0x5AB0]  }
0x4b: {  	v16 =	vld [tilespmem:$0x5BB0]  }
0x4c: {  	v14 =	vld [tilespmem:$0x5440]  }
0x4d: {  	v8 =	vld [tilespmem:$0x54C0]  }
0x4e: {  	v17 =	vld [tilespmem:$0x5540]  }
0x4f: {  	v19 =	vld [tilespmem:$0x55C0]  }
0x50: {  	v31 =	vld [tilespmem:$0x5640]  }
0x51: {  	v34 =	vld [tilespmem:$0x56C0]  }
0x52: {  	[tilespmem:$0x1FF70] =	vst v43;
	v43 =	vld [tilespmem:$0x58A0]  }
0x53: {  	[tilespmem:$0x1FF80] =	vst v44;
	v44 =	vld [tilespmem:$0x5920]  }
0x54: {  	[tilespmem:$0x1FFA0] =	vst v45;
	v45 =	vld [tilespmem:$0x59A0]  }
0x55: {  	[tilespmem:$0x1FFC0] =	vst v46;
	v46 =	vld [tilespmem:$0x5A20]  }
0x56: {  	[tilespmem:$0x1FF90] =	vst v47;
	v47 =	vld [tilespmem:$0x5AA0]  }
0x57: {  	[tilespmem:$0x1FFB0] =	vst v48;
	v48 =	vld [tilespmem:$0x5B20]  }
0x58: {  	[tilespmem:$0x1FFD0] =	vst v49;
	v49 =	vld [tilespmem:$0x5BA0]  }
0x59: {  	[tilespmem:$0x1FF60] =	vst v6;
	v6 =	vld [tilespmem:$0x5B30]  }
0x5a: {  	[tilespmem:$0x1FFE0] =	vst v34;
	v34 =	vld [tilespmem:$0x5740]  }
0x5b: {  	v2 =	vadd.f32 v3, v2;
	v3 =	vld [tilespmem:$0x57C0]  }
0x5c: {  	v7 =	vadd.f32 v9, v7;
	v9 =	vld [tilespmem:$0x5840];
	v50 =	vadd.f32 v51, v50  }
0x5d: {  	v2 =	vadd.f32 v4, v2;
	v4 =	vadd.f32 v35, v10;
	v10 =	vld [tilespmem:$0x58C0]  }
0x5e: {  	v35 =	vadd.f32 v21, v7;
	v21 =	vld [tilespmem:$0x5940]  }
0x5f: {  	v7 =	vld [tilespmem:$0x59C0];
	v50 =	vadd.f32 v52, v50  }
0x60: {  	v2 =	vadd.f32 v5, v2;
	v5 =	vld [tilespmem:$0x5A40]  }
0x61: {  	v51 =	vadd.f32 v53, v50;
	v50 =	vld [tilespmem:$0x54F0]  }
0x62: {  	v4 =	vadd.f32 v36, v4;
	v22 =	vadd.f32 v22, v35;
	v35 =	vld [tilespmem:$0x57E0]  }
0x63: {  	v8 =	vadd.f32 v8, v14;
	[tilespmem:$0x1FFF0] =	vst v34;
	v34 =	vld [tilespmem:$0x54E0]  }
0x64: {  	v36 =	vadd.f32 v37, v4;
	v4 =	vld [tilespmem:$0x5AC0]  }
0x65: {  	v8 =	vadd.f32 v17, v8;
	v2 =	vadd.f32 v11, v2;
	v11 =	vld [tilespmem:$0x5B40]  }
0x66: {  	v22 =	vadd.f32 v23, v22;
	v23 =	vadd.f32 v54, v51;
	v54 =	vld [tilespmem:$0x54D0]  }
0x67: {  	v8 =	vadd.f32 v19, v8;
	v37 =	vld [tilespmem:$0x5AD0]  }
0x68: {  	v51 =	vld [tilespmem:$0x1FFD0]  }
0x69: {  	v8 =	vadd.f32 v31, v8;
	v31 =	vld [tilespmem:$0x1FFE0]  }
0x6a: {  	v12 =	vadd.f32 v12, v2;
	v2 =	vld [tilespmem:$0x5BC0]  }
0x6b: {  	v22 =	vadd.f32 v24, v22;
	v24 =	vld [tilespmem:$0x5450]  }
0x6c: {  	v52 =	vadd.f32 v38, v36;
	v36 =	vld [tilespmem:$0x59D0]  }
0x6d: {  	v23 =	vadd.f32 v55, v23;
	v55 =	vld [tilespmem:$0x55E0]  }
0x6e: {  	v22 =	vadd.f32 v25, v22;
	v25 =	vld [tilespmem:$0x5550]  }
0x6f: {  	v12 =	vadd.f32 v13, v12;
	v53 =	vadd.f32 v39, v52;
	v52 =	vld [tilespmem:$0x5560]  }
0x70: {  	v39 =	vld [tilespmem:$0x1FFF0]  }
0x71: {  	v23 =	vadd.f32 v56, v23;
	v12 =	vadd.f32 v15, v12;
	v15 =	vld [tilespmem:$0x55D0]  }
0x72: {  	v22 =	vadd.f32 v26, v22;
	v26 =	vld [tilespmem:$0x5650]  }
0x73: {  	v23 =	vadd.f32 v57, v23;
	v57 =	vld [tilespmem:$0x1FF60]  }
0x74: {  	v13 =	vadd.f32 v40, v53;
	v53 =	vld [tilespmem:$0x5570]  }
0x75: {  	v8 =	vadd.f32 v31, v8;
	v40 =	vld [tilespmem:$0x57F0];
	v54 =	vadd.f32 v54, v24  }
0x76: {  	v12 =	vadd.f32 v18, v12;
	v13 =	vadd.f32 v41, v13;
	v18 =	vld [tilespmem:$0x56D0]  }
0x77: {  	v22 =	vadd.f32 v27, v22;
	v27 =	vld [tilespmem:$0x5750];
	v23 =	vadd.f32 v58, v23  }
0x78: {  	v58 =	vld [tilespmem:$0x1FF70];
	v8 =	vadd.f32 v39, v8;
	v12 =	vadd.f32 v20, v12  }
0x79: {  	v41 =	vld [tilespmem:$0x5860];
	v13 =	vadd.f32 v42, v13;
	v22 =	vadd.f32 v28, v22  }
0x7a: {  	v20 =	vld [tilespmem:$0x57D0];
	v23 =	vadd.f32 v59, v23;
	v3 =	vadd.f32 v3, v8  }
0x7b: {  	v28 =	vld [tilespmem:$0x5850];
	v12 =	vadd.f32 v33, v12;
	v13 =	vadd.f32 v43, v13  }
0x7c: {  	v59 =	vld [tilespmem:$0x1FF80];
	v22 =	vadd.f32 v29, v22;
	v23 =	vadd.f32 v60, v23  }
0x7d: {  	v33 =	vld [tilespmem:$0x58D0];
	v3 =	vadd.f32 v9, v3;
	v13 =	vadd.f32 v44, v13  }
0x7e: {  	v60 =	vld [tilespmem:$0x1FF90];
	v12 =	vadd.f32 v57, v12;
	v22 =	vadd.f32 v30, v22  }
0x7f: {  	v23 =	vadd.f32 v61, v23;
	v61 =	vld [tilespmem:$0x5460];
	v13 =	vadd.f32 v45, v13  }
0x80: {  	v29 =	vld [tilespmem:$0x5950];
	v3 =	vadd.f32 v10, v3;
	v12 =	vadd.f32 v58, v12  }
0x81: {  	v23 =	vadd.f32 v62, v23;
	v13 =	vadd.f32 v46, v13;
	v46 =	vld [tilespmem:$0x5470]  }
0x82: {  	v57 =	vld [tilespmem:$0x55F0];
	v22 =	vadd.f32 v32, v22;
	v3 =	vadd.f32 v21, v3  }
0x83: {  	v62 =	vld [tilespmem:$0x1FFA0];
	v12 =	vadd.f32 v59, v12;
	v23 =	vadd.f32 v63, v23  }
0x84: {  	v45 =	vld [tilespmem:$0x1FFB0];
	v22 =	vadd.f32 v60, v22;
	v56 =	vadd.f32 v34, v61  }
0x85: {  	v59 =	vld [tilespmem:$0x5660];
	v3 =	vadd.f32 v7, v3;
	v6 =	vadd.f32 v6, v23  }
0x86: {  	v60 =	vld [tilespmem:$0x5670];
	v17 =	vadd.f32 v52, v56;
	v58 =	vadd.f32 v50, v46  }
0x87: {  	v61 =	vld [tilespmem:$0x56E0];
	v6 =	vadd.f32 v16, v6;
	v16 =	vadd.f32 v25, v54  }
0x88: {  	v63 =	vld [tilespmem:$0x5760];
	v17 =	vadd.f32 v55, v17;
	v14 =	vadd.f32 v53, v58  }
0x89: {  	v12 =	vadd.f32 v62, v12;
	v62 =	vld [tilespmem:$0x56F0];
	v15 =	vadd.f32 v15, v16  }
0x8a: {  	v43 =	vld [tilespmem:$0x5870];
	v17 =	vadd.f32 v59, v17;
	v14 =	vadd.f32 v57, v14  }
0x8b: {  	v34 =	vld [tilespmem:$0x5770];
	v13 =	vadd.f32 v47, v13;
	v15 =	vadd.f32 v26, v15  }
0x8c: {  	v30 =	vld [tilespmem:$0x5A50];
	v16 =	vadd.f32 v61, v17;
	v14 =	vadd.f32 v60, v14  }
0x8d: {  	v44 =	vld [tilespmem:$0x58E0];
	v22 =	vadd.f32 v45, v22;
	v15 =	vadd.f32 v18, v15  }
0x8e: {  	v47 =	vld [tilespmem:$0x1FFC0];
	v42 =	vadd.f32 v63, v16;
	v14 =	vadd.f32 v62, v14  }
0x8f: {  	v32 =	vld [tilespmem:$0x5B50];
	v13 =	vadd.f32 v48, v13;
	v15 =	vadd.f32 v27, v15  }
0x90: {  	v45 =	vld [tilespmem:$0x58F0];
	v8 =	vadd.f32 v35, v42;
	v14 =	vadd.f32 v34, v14  }
0x91: {  	v22 =	vadd.f32 v51, v22;
	v46 =	vld [tilespmem:$0x5960];
	v15 =	vadd.f32 v20, v15  }
0x92: {  	v48 =	vld [tilespmem:$0x59E0];
	v8 =	vadd.f32 v41, v8;
	v14 =	vadd.f32 v40, v14  }
0x93: {  	v12 =	vadd.f32 v47, v12;
	v47 =	vld [tilespmem:$0x5970];
	v15 =	vadd.f32 v28, v15  }
0x94: {  	v50 =	vld [tilespmem:$0x5A60];
	v8 =	vadd.f32 v44, v8;
	v14 =	vadd.f32 v43, v14  }
0x95: {  	v13 =	vadd.f32 v49, v13;
	v49 =	vld [tilespmem:$0x59F0];
	v15 =	vadd.f32 v33, v15  }
0x96: {  	v52 =	vld [tilespmem:$0x5A70];
	v51 =	vadd.f32 v46, v8;
	v9 =	vadd.f32 v45, v14  }
0x97: {  	v3 =	vadd.f32 v5, v3;
	v53 =	vld [tilespmem:$0x5AE0];
	v15 =	vadd.f32 v29, v15  }
0x98: {  	v56 =	vld [tilespmem:$0x5B60];
	v54 =	vadd.f32 v48, v51;
	v9 =	vadd.f32 v47, v9  }
0x99: {  	v55 =	vld [tilespmem:$0x5AF0];
	v3 =	vadd.f32 v4, v3;
	v15 =	vadd.f32 v36, v15  }
0x9a: {  	v58 =	vld [tilespmem:$0x5B70];
	v57 =	vadd.f32 v50, v54;
	v9 =	vadd.f32 v49, v9  }
0x9b: {  	v3 =	vadd.f32 v11, v3;
	v60 =	vld [tilespmem:$0x5BE0];
	v15 =	vadd.f32 v30, v15  }
0x9c: {  	v38 =	vld [tilespmem:$0x5BD0];
	v4 =	vadd.f32 v53, v57;
	v8 =	vadd.f32 v52, v9  }
0x9d: {  	[tilespmem:$0x5C30] =	vst v6;
	v61 =	vld [tilespmem:$0x5BF0];
	v2 =	vadd.f32 v2, v3;
	v59 =	vadd.f32 v37, v15  }
0x9e: {  	[tilespmem:$0x5C10] =	vst v22;
	v3 =	vadd.f32 v56, v4;
	v7 =	vadd.f32 v55, v8  }
0x9f: {  	[tilespmem:$0x5C20] =	vst v13;
	v62 =	vadd.f32 v32, v59  }
0xa0: {  	[tilespmem:$0x5C40] =	vst v2;
	v2 =	vadd.f32 v60, v3;
	v5 =	vadd.f32 v58, v7  }
0xa1: {  	[tilespmem:$0x5C00] =	vst v12;
	v63 =	vadd.f32 v38, v62  }
0xa2: {  	s0 =	sadd.s32 $0x1, s0;
	[tilespmem:$0x5C60] =	vst v2;
	v3 =	vadd.f32 v61, v5  }
0xa3: {  	p1 =	sne.s32 s0, s17;
	[tilespmem:$0x5C50] =	vst v63  }
.Ltmp1:
0xa4: {  	s2 =	simm.s32 $0x5C00;
	[tilespmem:$0x5C70] =	vst v3;
	(pc) =	sbr.rel @!p1 .LBB2_20-.Ltmp1, $4  }
0xa5: {  	[hbm4b:s16+s4] =	stream.linear.scatter [tilespmem:s2], [sflag:$0x7], $0x80, $0x38;
	[tilespmem:$0x5C80] =	vst v63  }
0xa6: {  	_ =	swait.ge [sflag:s31], $0x80  }
0xa7: {  	[sflag:s31] =	ssyncset.done $0x0  }
0xa8: {  	[sflag:s31] =	ssyncadd.s32 $0xFFFFFF80  }
.LBB2_1:
0xa9: {  	[tilespmem:$0x5400] =	vst v0  }
0xaa: {  	[tilespmem:$0x5410] =	vst v0  }
0xab: {  	[tilespmem:$0x5420] =	vst v0  }
0xac: {  	[tilespmem:$0x5430] =	vst v0  }
0xad: {  	[tilespmem:$0x5440] =	vst v0  }
0xae: {  	[tilespmem:$0x5450] =	vst v0  }
0xaf: {  	[tilespmem:$0x5460] =	vst v0  }
0xb0: {  	[tilespmem:$0x5470] =	vst v0  }
0xb1: {  	[tilespmem:$0x5480] =	vst v0  }
0xb2: {  	[tilespmem:$0x5490] =	vst v0  }
0xb3: {  	[tilespmem:$0x54A0] =	vst v0  }
0xb4: {  	[tilespmem:$0x54B0] =	vst v0  }
0xb5: {  	[tilespmem:$0x54C0] =	vst v0  }
0xb6: {  	[tilespmem:$0x54D0] =	vst v0  }
0xb7: {  	[tilespmem:$0x54E0] =	vst v0  }
0xb8: {  	[tilespmem:$0x54F0] =	vst v0  }
0xb9: {  	[tilespmem:$0x5500] =	vst v0  }
0xba: {  	[tilespmem:$0x5510] =	vst v0  }
0xbb: {  	[tilespmem:$0x5520] =	vst v0  }
0xbc: {  	[tilespmem:$0x5530] =	vst v0  }
0xbd: {  	[tilespmem:$0x5540] =	vst v0  }
0xbe: {  	[tilespmem:$0x5550] =	vst v0  }
0xbf: {  	[tilespmem:$0x5560] =	vst v0  }
0xc0: {  	[tilespmem:$0x5570] =	vst v0  }
0xc1: {  	[tilespmem:$0x5580] =	vst v0  }
0xc2: {  	[tilespmem:$0x5590] =	vst v0  }
0xc3: {  	[tilespmem:$0x55A0] =	vst v0  }
0xc4: {  	[tilespmem:$0x55B0] =	vst v0  }
0xc5: {  	[tilespmem:$0x55C0] =	vst v0  }
0xc6: {  	[tilespmem:$0x55D0] =	vst v0  }
0xc7: {  	[tilespmem:$0x55E0] =	vst v0  }
0xc8: {  	[tilespmem:$0x55F0] =	vst v0  }
0xc9: {  	[tilespmem:$0x5600] =	vst v0  }
0xca: {  	[tilespmem:$0x5610] =	vst v0  }
0xcb: {  	[tilespmem:$0x5620] =	vst v0  }
0xcc: {  	[tilespmem:$0x5630] =	vst v0  }
0xcd: {  	[tilespmem:$0x5640] =	vst v0  }
0xce: {  	[tilespmem:$0x5650] =	vst v0  }
0xcf: {  	[tilespmem:$0x5660] =	vst v0  }
0xd0: {  	[tilespmem:$0x5670] =	vst v0  }
0xd1: {  	[tilespmem:$0x5680] =	vst v0  }
0xd2: {  	[tilespmem:$0x5690] =	vst v0  }
0xd3: {  	[tilespmem:$0x56A0] =	vst v0  }
0xd4: {  	[tilespmem:$0x56B0] =	vst v0  }
0xd5: {  	[tilespmem:$0x56C0] =	vst v0  }
0xd6: {  	[tilespmem:$0x56D0] =	vst v0  }
0xd7: {  	[tilespmem:$0x56E0] =	vst v0  }
0xd8: {  	[tilespmem:$0x56F0] =	vst v0  }
0xd9: {  	[tilespmem:$0x5700] =	vst v0  }
0xda: {  	[tilespmem:$0x5710] =	vst v0  }
0xdb: {  	[tilespmem:$0x5720] =	vst v0  }
0xdc: {  	[tilespmem:$0x5730] =	vst v0  }
0xdd: {  	[tilespmem:$0x5740] =	vst v0  }
0xde: {  	[tilespmem:$0x5750] =	vst v0  }
0xdf: {  	[tilespmem:$0x5760] =	vst v0  }
0xe0: {  	[tilespmem:$0x5770] =	vst v0  }
0xe1: {  	[tilespmem:$0x5780] =	vst v0  }
0xe2: {  	[tilespmem:$0x5790] =	vst v0  }
0xe3: {  	[tilespmem:$0x57A0] =	vst v0  }
0xe4: {  	[tilespmem:$0x57B0] =	vst v0  }
0xe5: {  	[tilespmem:$0x57C0] =	vst v0  }
0xe6: {  	[tilespmem:$0x57D0] =	vst v0  }
0xe7: {  	[tilespmem:$0x57E0] =	vst v0  }
0xe8: {  	[tilespmem:$0x57F0] =	vst v0  }
0xe9: {  	[tilespmem:$0x5800] =	vst v0  }
0xea: {  	[tilespmem:$0x5810] =	vst v0  }
0xeb: {  	[tilespmem:$0x5820] =	vst v0  }
0xec: {  	[tilespmem:$0x5830] =	vst v0  }
0xed: {  	[tilespmem:$0x5840] =	vst v0  }
0xee: {  	[tilespmem:$0x5850] =	vst v0  }
0xef: {  	[tilespmem:$0x5860] =	vst v0  }
0xf0: {  	[tilespmem:$0x5870] =	vst v0  }
0xf1: {  	[tilespmem:$0x5880] =	vst v0  }
0xf2: {  	[tilespmem:$0x5890] =	vst v0  }
0xf3: {  	[tilespmem:$0x58A0] =	vst v0  }
0xf4: {  	[tilespmem:$0x58B0] =	vst v0  }
0xf5: {  	[tilespmem:$0x58C0] =	vst v0  }
0xf6: {  	[tilespmem:$0x58D0] =	vst v0  }
0xf7: {  	[tilespmem:$0x58E0] =	vst v0  }
0xf8: {  	[tilespmem:$0x58F0] =	vst v0  }
0xf9: {  	[tilespmem:$0x5900] =	vst v0  }
0xfa: {  	[tilespmem:$0x5910] =	vst v0  }
0xfb: {  	[tilespmem:$0x5920] =	vst v0  }
0xfc: {  	[tilespmem:$0x5930] =	vst v0  }
0xfd: {  	[tilespmem:$0x5940] =	vst v0  }
0xfe: {  	[tilespmem:$0x5950] =	vst v0  }
0xff: {  	[tilespmem:$0x5960] =	vst v0  }
0x100: {  	[tilespmem:$0x5970] =	vst v0  }
0x101: {  	[tilespmem:$0x5980] =	vst v0  }
0x102: {  	[tilespmem:$0x5990] =	vst v0  }
0x103: {  	[tilespmem:$0x59A0] =	vst v0  }
0x104: {  	[tilespmem:$0x59B0] =	vst v0  }
0x105: {  	[tilespmem:$0x59C0] =	vst v0  }
0x106: {  	[tilespmem:$0x59D0] =	vst v0  }
0x107: {  	[tilespmem:$0x59E0] =	vst v0  }
0x108: {  	[tilespmem:$0x59F0] =	vst v0  }
0x109: {  	[tilespmem:$0x5A00] =	vst v0  }
0x10a: {  	[tilespmem:$0x5A10] =	vst v0  }
0x10b: {  	[tilespmem:$0x5A20] =	vst v0  }
0x10c: {  	[tilespmem:$0x5A30] =	vst v0  }
0x10d: {  	[tilespmem:$0x5A40] =	vst v0  }
0x10e: {  	[tilespmem:$0x5A50] =	vst v0  }
0x10f: {  	[tilespmem:$0x5A60] =	vst v0  }
0x110: {  	[tilespmem:$0x5A70] =	vst v0  }
0x111: {  	[tilespmem:$0x5A80] =	vst v0  }
0x112: {  	[tilespmem:$0x5A90] =	vst v0  }
0x113: {  	[tilespmem:$0x5AA0] =	vst v0  }
0x114: {  	[tilespmem:$0x5AB0] =	vst v0  }
0x115: {  	[tilespmem:$0x5AC0] =	vst v0  }
0x116: {  	[tilespmem:$0x5AD0] =	vst v0  }
0x117: {  	[tilespmem:$0x5AE0] =	vst v0  }
0x118: {  	[tilespmem:$0x5AF0] =	vst v0  }
0x119: {  	[tilespmem:$0x5B00] =	vst v0  }
0x11a: {  	[tilespmem:$0x5B10] =	vst v0  }
0x11b: {  	[tilespmem:$0x5B20] =	vst v0  }
0x11c: {  	[tilespmem:$0x5B30] =	vst v0  }
0x11d: {  	[tilespmem:$0x5B40] =	vst v0  }
0x11e: {  	[tilespmem:$0x5B50] =	vst v0  }
0x11f: {  	[tilespmem:$0x5B60] =	vst v0  }
0x120: {  	[tilespmem:$0x5B70] =	vst v0  }
0x121: {  	[tilespmem:$0x5B80] =	vst v0  }
0x122: {  	[tilespmem:$0x5B90] =	vst v0  }
0x123: {  	[tilespmem:$0x5BA0] =	vst v0  }
0x124: {  	[tilespmem:$0x5BB0] =	vst v0  }
0x125: {  	[tilespmem:$0x5BC0] =	vst v0  }
0x126: {  	[tilespmem:$0x5BD0] =	vst v0  }
0x127: {  	[tilespmem:$0x5BE0] =	vst v0  }
0x128: {  	[tilespmem:$0x5BF0] =	vst v0;
	s2 =	rddreg [dreg:$0x4]  }
0x129: {  	[tilespmem:s4], [sflag:$0x1] =	stream.linear.gather [hbm4b:s2+s4], $0xD90, $0x38;
	[tilespmem:$0x5C80] =	vst v63  }
0x12a: {  	s15 =	rddreg [dreg:$0x5]  }
0x12b: {  	[tilespmem:s18], [sflag:$0x4] =	stream.linear.gather [hbm4b:s15+s4], $0xD90, $0x38;
	[tilespmem:$0x5C80] =	vst v63  }
0x12c: {  	_ = 	snop  }
0x12d: {  	[tilespmem:s19], [sflag:$0x2] =	stream.linear.gather [hbm4b:s7+s4], $0xD90, $0x38;
	[tilespmem:$0x5C80] =	vst v63  }
0x12e: {  	_ = 	snop  }
0x12f: {  	[tilespmem:s20], [sflag:$0x5] =	stream.linear.gather [hbm4b:s8+s4], $0xD90, $0x38;
	[tilespmem:$0x5C80] =	vst v63  }
0x130: {  	_ = 	snop  }
0x131: {  	[tilespmem:s21], [sflag:$0x3] =	stream.linear.gather [hbm4b:s9+s4], $0xD90, $0x38;
	[tilespmem:$0x5C80] =	vst v63  }
0x132: {  	s14 =	simm.s32 $0x0  }
0x133: {  	[tilespmem:s22], [sflag:$0x6] =	stream.linear.gather [hbm4b:s10+s4], $0xD90, $0x38;
	[tilespmem:$0x5C80] =	vst v63  }
.LBB2_2:
0x134: {  	_ =	swait.ge [sflag:s23], $0xD90  }
0x135: {  	[sflag:s23] =	ssyncset.done $0x0  }
0x136: {  	[sflag:s23] =	ssyncadd.s32 $0xFFFFF270  }
0x137: {  	_ =	swait.ge [sflag:s24], $0xD90  }
0x138: {  	[sflag:s24] =	ssyncset.done $0x0  }
0x139: {  	s2 =	simm.s32 $0x2A30;
	[sflag:s24] =	ssyncadd.s32 $0xFFFFF270  }
0x13a: {  	v2 =	vld [tilespmem:s2+$0x30]  }
0x13b: {  	v3 =	vld [tilespmem:s2+$0xFFFFFFE0]  }
0x13c: {  	v4 =	vld [tilespmem:s2+$0xFFFFFFF0]  }
0x13d: {  	v5 =	vld [tilespmem:s2+$0x0]  }
0x13e: {  	s15 =	simm.s32 $0x30;
	v6 =	vld [tilespmem:s2+$0x10]  }
0x13f: {  	v7 =	vld [tilespmem:s15+$0x30]  }
0x140: {  	v9 =	vld [tilespmem:s2+$0xFFFFFFD0]  }
0x141: {  	v8 =	vld [tilespmem:s2+$0x20]  }
0x142: {  	v10 =	vld [tilespmem:s15+$0xFFFFFFD0]  }
0x143: {  	v11 =	vld [tilespmem:s15+$0xFFFFFFE0];
	v2 =	vadd.s32 v1, v2  }
0x144: {  	v61 =	vld [tilespmem:s15+$0xFFFFFFF0];
	v3 =	vadd.s32 v1, v3  }
0x145: {  	v63 =	vld [tilespmem:s15+$0x0];
	v62 =	vadd.s32 v1, v9  }
0x146: {  	v12 =	vld [tilespmem:s15+$0x10];
	v5 =	vadd.s32 v1, v5  }
0x147: {  	v13 =	vld [tilespmem:s15+$0x20];
	v6 =	vadd.s32 v1, v6  }
0x148: {  	v8 =	vadd.s32 v1, v8;
	[tilespmem:v2+s25+$0x0] =	vst.idx.add.f32.msk $0xffff, v7  }
0x149: {  	v2 =	vadd.s32 v1, v4;
	[tilespmem:v3+s25+$0x0] =	vst.idx.add.f32.msk $0xffff, v11  }
0x14a: {  	[tilespmem:v62+s25+$0x0] =	vst.idx.add.f32.msk $0xffff, v10  }
0x14b: {  	[tilespmem:v5+s25+$0x0] =	vst.idx.add.f32.msk $0xffff, v63  }
0x14c: {  	[tilespmem:v6+s25+$0x0] =	vst.idx.add.f32.msk $0xffff, v12  }
0x14d: {  	[tilespmem:v8+s25+$0x0] =	vst.idx.add.f32.msk $0xffff, v13  }
0x14e: {  	s5 =	simm.s32 $0x2AA0;
	s2 =	simm.s32 $0x0;
	[tilespmem:v2+s25+$0x0] =	vst.idx.add.f32.msk $0xffff, v61  }
.LBB2_3:
0x14f: {  	v2 =	vld [tilespmem:s5+$0x30];
	s2 =	sadd.s32 $0x70, s2  }
0x150: {  	v3 =	vld [tilespmem:s5+$0xFFFFFFE0];
	p1 =	slt.u32 s2, $0xD20  }
0x151: {  	v4 =	vld [tilespmem:s5+$0xFFFFFFF0]  }
0x152: {  	v5 =	vld [tilespmem:s5+$0x0]  }
0x153: {  	s15 =	sadd.s32 $0x70, s15;
	v6 =	vld [tilespmem:s5+$0x10]  }
0x154: {  	v7 =	vld [tilespmem:s15+$0x30];
	v2 =	vadd.s32 v1, v2  }
0x155: {  	v3 =	vadd.s32 v1, v3;
	v8 =	vld [tilespmem:s5+$0x20]  }
0x156: {  	v9 =	vld [tilespmem:s5+$0xFFFFFFD0];
	v4 =	vadd.s32 v1, v4  }
0x157: {  	v10 =	vld [tilespmem:s15+$0xFFFFFFD0];
	v5 =	vadd.s32 v1, v5  }
0x158: {  	v11 =	vld [tilespmem:s15+$0xFFFFFFE0];
	v6 =	vadd.s32 v1, v6  }
0x159: {  	[tilespmem:v2+s25+$0x0] =	vst.idx.add.f32.msk $0xffff, v7  }
0x15a: {  	v2 =	vld [tilespmem:s15+$0xFFFFFFF0];
	v7 =	vadd.s32 v1, v8  }
0x15b: {  	v8 =	vadd.s32 v1, v9;
	v9 =	vld [tilespmem:s15+$0x0]  }
0x15c: {  	v12 =	vld [tilespmem:s15+$0x10]  }
0x15d: {  	v13 =	vld [tilespmem:s15+$0x20]  }
0x15e: {  	[tilespmem:v3+s25+$0x0] =	vst.idx.add.f32.msk $0xffff, v11  }
.Ltmp2:
0x15f: {  	[tilespmem:v4+s25+$0x0] =	vst.idx.add.f32.msk $0xffff, v2;
	(pc) =	sbr.rel @p1 .LBB2_3-.Ltmp2, $4  }
0x160: {  	[tilespmem:v8+s25+$0x0] =	vst.idx.add.f32.msk $0xffff, v10  }
0x161: {  	[tilespmem:v5+s25+$0x0] =	vst.idx.add.f32.msk $0xffff, v9  }
0x162: {  	[tilespmem:v6+s25+$0x0] =	vst.idx.add.f32.msk $0xffff, v12  }
0x163: {  	s5 =	sadd.s32 $0x70, s5;
	[tilespmem:v7+s25+$0x0] =	vst.idx.add.f32.msk $0xffff, v13  }
0x164: {  	s15 =	smul.u32 $0x28B0, s14;
	_ =	sdelay $0x1  }
0x165: {  	s2 =	sadd.s32 s15, s11  }
0x166: {  	s2 =	sshrl.u32 s2, $0x3  }
0x167: {  	s5 =	sadd.s32 s1, s2  }
0x168: {  	[tilespmem:s4], [sflag:$0x1] =	stream.linear.gather [hbm4b:s5+s4], $0xD90, $0x38;
	[tilespmem:$0x5C80] =	vst v63  }
0x169: {  	s2 =	sadd.s32 s3, s2  }
0x16a: {  	[tilespmem:s18], [sflag:$0x4] =	stream.linear.gather [hbm4b:s2+s4], $0xD90, $0x38;
	[tilespmem:$0x5C80] =	vst v63  }
0x16b: {  	_ =	swait.ge [sflag:s26], $0xD90  }
0x16c: {  	[sflag:s26] =	ssyncset.done $0x0  }
0x16d: {  	[sflag:s26] =	ssyncadd.s32 $0xFFFFF270  }
0x16e: {  	_ =	swait.ge [sflag:s28], $0xD90  }
0x16f: {  	[sflag:s28] =	ssyncset.done $0x0  }
0x170: {  	s6 =	simm.s32 $0x3830;
	[sflag:s28] =	ssyncadd.s32 $0xFFFFF270  }
0x171: {  	v2 =	vld [tilespmem:s6+$0x30]  }
0x172: {  	v3 =	vld [tilespmem:s6+$0xFFFFFFE0]  }
0x173: {  	v4 =	vld [tilespmem:s6+$0xFFFFFFF0]  }
0x174: {  	v5 =	vld [tilespmem:s6+$0x0]  }
0x175: {  	s2 =	simm.s32 $0xE30;
	v6 =	vld [tilespmem:s6+$0x10]  }
0x176: {  	v7 =	vld [tilespmem:s2+$0x30]  }
0x177: {  	v9 =	vld [tilespmem:s6+$0xFFFFFFD0]  }
0x178: {  	v8 =	vld [tilespmem:s6+$0x20]  }
0x179: {  	v10 =	vld [tilespmem:s2+$0xFFFFFFD0]  }
0x17a: {  	v11 =	vld [tilespmem:s2+$0xFFFFFFE0];
	v2 =	vadd.s32 v1, v2  }
0x17b: {  	v61 =	vld [tilespmem:s2+$0xFFFFFFF0];
	v3 =	vadd.s32 v1, v3  }
0x17c: {  	v63 =	vld [tilespmem:s2+$0x0];
	v62 =	vadd.s32 v1, v9  }
0x17d: {  	v12 =	vld [tilespmem:s2+$0x10];
	v5 =	vadd.s32 v1, v5  }
0x17e: {  	v13 =	vld [tilespmem:s2+$0x20];
	v6 =	vadd.s32 v1, v6  }
0x17f: {  	v8 =	vadd.s32 v1, v8;
	[tilespmem:v2+s25+$0x0] =	vst.idx.add.f32.msk $0xffff, v7  }
0x180: {  	v2 =	vadd.s32 v1, v4;
	[tilespmem:v3+s25+$0x0] =	vst.idx.add.f32.msk $0xffff, v11  }
0x181: {  	[tilespmem:v62+s25+$0x0] =	vst.idx.add.f32.msk $0xffff, v10  }
0x182: {  	[tilespmem:v5+s25+$0x0] =	vst.idx.add.f32.msk $0xffff, v63  }
0x183: {  	[tilespmem:v6+s25+$0x0] =	vst.idx.add.f32.msk $0xffff, v12  }
0x184: {  	[tilespmem:v8+s25+$0x0] =	vst.idx.add.f32.msk $0xffff, v13  }
0x185: {  	s5 =	simm.s32 $0x0;
	s6 =	simm.s32 $0x38A0;
	[tilespmem:v2+s25+$0x0] =	vst.idx.add.f32.msk $0xffff, v61  }
.LBB2_5:
0x186: {  	v2 =	vld [tilespmem:s6+$0x30];
	s5 =	sadd.s32 $0x70, s5  }
0x187: {  	v3 =	vld [tilespmem:s6+$0xFFFFFFE0];
	p1 =	slt.u32 s5, $0xD20  }
0x188: {  	v4 =	vld [tilespmem:s6+$0xFFFFFFF0]  }
0x189: {  	v5 =	vld [tilespmem:s6+$0x0]  }
0x18a: {  	s2 =	sadd.s32 $0x70, s2;
	v6 =	vld [tilespmem:s6+$0x10]  }
0x18b: {  	v7 =	vld [tilespmem:s2+$0x30];
	v2 =	vadd.s32 v1, v2  }
0x18c: {  	v3 =	vadd.s32 v1, v3;
	v8 =	vld [tilespmem:s6+$0x20]  }
0x18d: {  	v9 =	vld [tilespmem:s6+$0xFFFFFFD0];
	v4 =	vadd.s32 v1, v4  }
0x18e: {  	v10 =	vld [tilespmem:s2+$0xFFFFFFD0];
	v5 =	vadd.s32 v1, v5  }
0x18f: {  	v11 =	vld [tilespmem:s2+$0xFFFFFFE0];
	v6 =	vadd.s32 v1, v6  }
0x190: {  	[tilespmem:v2+s25+$0x0] =	vst.idx.add.f32.msk $0xffff, v7  }
0x191: {  	v2 =	vld [tilespmem:s2+$0xFFFFFFF0];
	v7 =	vadd.s32 v1, v8  }
0x192: {  	v8 =	vadd.s32 v1, v9;
	v9 =	vld [tilespmem:s2+$0x0]  }
0x193: {  	v12 =	vld [tilespmem:s2+$0x10]  }
0x194: {  	v13 =	vld [tilespmem:s2+$0x20]  }
0x195: {  	[tilespmem:v3+s25+$0x0] =	vst.idx.add.f32.msk $0xffff, v11  }
.Ltmp3:
0x196: {  	[tilespmem:v4+s25+$0x0] =	vst.idx.add.f32.msk $0xffff, v2;
	(pc) =	sbr.rel @p1 .LBB2_5-.Ltmp3, $4  }
0x197: {  	[tilespmem:v8+s25+$0x0] =	vst.idx.add.f32.msk $0xffff, v10  }
0x198: {  	[tilespmem:v5+s25+$0x0] =	vst.idx.add.f32.msk $0xffff, v9  }
0x199: {  	[tilespmem:v6+s25+$0x0] =	vst.idx.add.f32.msk $0xffff, v12  }
0x19a: {  	s6 =	sadd.s32 $0x70, s6;
	[tilespmem:v7+s25+$0x0] =	vst.idx.add.f32.msk $0xffff, v13  }
0x19b: {  	s2 =	sadd.s32 s15, s12  }
0x19c: {  	s2 =	sshrl.u32 s2, $0x3  }
0x19d: {  	s5 =	sadd.s32 s1, s2  }
0x19e: {  	[tilespmem:s19], [sflag:$0x2] =	stream.linear.gather [hbm4b:s5+s4], $0xD90, $0x38;
	[tilespmem:$0x5C80] =	vst v63  }
0x19f: {  	s2 =	sadd.s32 s3, s2  }
0x1a0: {  	[tilespmem:s20], [sflag:$0x5] =	stream.linear.gather [hbm4b:s2+s4], $0xD90, $0x38;
	[tilespmem:$0x5C80] =	vst v63  }
0x1a1: {  	_ =	swait.ge [sflag:s29], $0xD90  }
0x1a2: {  	[sflag:s29] =	ssyncset.done $0x0  }
0x1a3: {  	[sflag:s29] =	ssyncadd.s32 $0xFFFFF270  }
0x1a4: {  	_ =	swait.ge [sflag:s30], $0xD90  }
0x1a5: {  	[sflag:s30] =	ssyncset.done $0x0  }
0x1a6: {  	s6 =	simm.s32 $0x4630;
	[sflag:s30] =	ssyncadd.s32 $0xFFFFF270  }
0x1a7: {  	v2 =	vld [tilespmem:s6+$0x30]  }
0x1a8: {  	v3 =	vld [tilespmem:s6+$0xFFFFFFE0]  }
0x1a9: {  	v4 =	vld [tilespmem:s6+$0xFFFFFFF0]  }
0x1aa: {  	v5 =	vld [tilespmem:s6+$0x0]  }
0x1ab: {  	s2 =	simm.s32 $0x1C30;
	v6 =	vld [tilespmem:s6+$0x10]  }
0x1ac: {  	v7 =	vld [tilespmem:s2+$0x30]  }
0x1ad: {  	v9 =	vld [tilespmem:s6+$0xFFFFFFD0]  }
0x1ae: {  	v8 =	vld [tilespmem:s6+$0x20]  }
0x1af: {  	v10 =	vld [tilespmem:s2+$0xFFFFFFD0]  }
0x1b0: {  	v11 =	vld [tilespmem:s2+$0xFFFFFFE0];
	v2 =	vadd.s32 v1, v2  }
0x1b1: {  	v61 =	vld [tilespmem:s2+$0xFFFFFFF0];
	v3 =	vadd.s32 v1, v3  }
0x1b2: {  	v63 =	vld [tilespmem:s2+$0x0];
	v62 =	vadd.s32 v1, v9  }
0x1b3: {  	v12 =	vld [tilespmem:s2+$0x10];
	v5 =	vadd.s32 v1, v5  }
0x1b4: {  	v13 =	vld [tilespmem:s2+$0x20];
	v6 =	vadd.s32 v1, v6  }
0x1b5: {  	v8 =	vadd.s32 v1, v8;
	[tilespmem:v2+s25+$0x0] =	vst.idx.add.f32.msk $0xffff, v7  }
0x1b6: {  	v2 =	vadd.s32 v1, v4;
	[tilespmem:v3+s25+$0x0] =	vst.idx.add.f32.msk $0xffff, v11  }
0x1b7: {  	[tilespmem:v62+s25+$0x0] =	vst.idx.add.f32.msk $0xffff, v10  }
0x1b8: {  	[tilespmem:v5+s25+$0x0] =	vst.idx.add.f32.msk $0xffff, v63  }
0x1b9: {  	[tilespmem:v6+s25+$0x0] =	vst.idx.add.f32.msk $0xffff, v12  }
0x1ba: {  	[tilespmem:v8+s25+$0x0] =	vst.idx.add.f32.msk $0xffff, v13  }
0x1bb: {  	s5 =	simm.s32 $0x0;
	s6 =	simm.s32 $0x46A0;
	[tilespmem:v2+s25+$0x0] =	vst.idx.add.f32.msk $0xffff, v61  }
.LBB2_7:
0x1bc: {  	v2 =	vld [tilespmem:s6+$0x30];
	s5 =	sadd.s32 $0x70, s5  }
0x1bd: {  	v3 =	vld [tilespmem:s6+$0xFFFFFFE0];
	p1 =	slt.u32 s5, $0xD20  }
0x1be: {  	v4 =	vld [tilespmem:s6+$0xFFFFFFF0]  }
0x1bf: {  	v5 =	vld [tilespmem:s6+$0x0]  }
0x1c0: {  	s2 =	sadd.s32 $0x70, s2;
	v6 =	vld [tilespmem:s6+$0x10]  }
0x1c1: {  	v7 =	vld [tilespmem:s2+$0x30];
	v2 =	vadd.s32 v1, v2  }
0x1c2: {  	v3 =	vadd.s32 v1, v3;
	v8 =	vld [tilespmem:s6+$0x20]  }
0x1c3: {  	v9 =	vld [tilespmem:s6+$0xFFFFFFD0];
	v4 =	vadd.s32 v1, v4  }
0x1c4: {  	v10 =	vld [tilespmem:s2+$0xFFFFFFD0];
	v5 =	vadd.s32 v1, v5  }
0x1c5: {  	v11 =	vld [tilespmem:s2+$0xFFFFFFE0];
	v6 =	vadd.s32 v1, v6  }
0x1c6: {  	[tilespmem:v2+s25+$0x0] =	vst.idx.add.f32.msk $0xffff, v7  }
0x1c7: {  	v2 =	vld [tilespmem:s2+$0xFFFFFFF0];
	v7 =	vadd.s32 v1, v8  }
0x1c8: {  	v8 =	vadd.s32 v1, v9;
	v9 =	vld [tilespmem:s2+$0x0]  }
0x1c9: {  	v12 =	vld [tilespmem:s2+$0x10]  }
0x1ca: {  	v13 =	vld [tilespmem:s2+$0x20]  }
0x1cb: {  	[tilespmem:v3+s25+$0x0] =	vst.idx.add.f32.msk $0xffff, v11  }
.Ltmp4:
0x1cc: {  	[tilespmem:v4+s25+$0x0] =	vst.idx.add.f32.msk $0xffff, v2;
	(pc) =	sbr.rel @p1 .LBB2_7-.Ltmp4, $4  }
0x1cd: {  	[tilespmem:v8+s25+$0x0] =	vst.idx.add.f32.msk $0xffff, v10  }
0x1ce: {  	[tilespmem:v5+s25+$0x0] =	vst.idx.add.f32.msk $0xffff, v9  }
0x1cf: {  	[tilespmem:v6+s25+$0x0] =	vst.idx.add.f32.msk $0xffff, v12  }
0x1d0: {  	s6 =	sadd.s32 $0x70, s6;
	[tilespmem:v7+s25+$0x0] =	vst.idx.add.f32.msk $0xffff, v13  }
0x1d1: {  	s14 =	sadd.s32 $0x1, s14  }
0x1d2: {  	s2 =	sadd.s32 s15, s13;
	p1 =	sne.s32 s14, $0x5  }
.Ltmp5:
0x1d3: {  	s2 =	sshrl.u32 s2, $0x3;
	(pc) =	sbr.rel @p1 .LBB2_2-.Ltmp5, $4  }
0x1d4: {  	s5 =	sadd.s32 s1, s2  }
0x1d5: {  	[tilespmem:s21], [sflag:$0x3] =	stream.linear.gather [hbm4b:s5+s4], $0xD90, $0x38;
	[tilespmem:$0x5C80] =	vst v63  }
0x1d6: {  	s2 =	sadd.s32 s3, s2  }
0x1d7: {  	[tilespmem:s22], [sflag:$0x6] =	stream.linear.gather [hbm4b:s2+s4], $0xD90, $0x38;
	[tilespmem:$0x5C80] =	vst v63  }
0x1d8: {  	_ =	swait.ge [sflag:s23], $0xD90  }
0x1d9: {  	[sflag:s23] =	ssyncset.done $0x0  }
0x1da: {  	[sflag:s23] =	ssyncadd.s32 $0xFFFFF270  }
0x1db: {  	_ =	swait.ge [sflag:s24], $0xD90  }
0x1dc: {  	[sflag:s24] =	ssyncset.done $0x0  }
0x1dd: {  	s5 =	simm.s32 $0x2A30;
	[sflag:s24] =	ssyncadd.s32 $0xFFFFF270  }
0x1de: {  	v2 =	vld [tilespmem:s5+$0x30]  }
0x1df: {  	v3 =	vld [tilespmem:s5+$0xFFFFFFE0]  }
0x1e0: {  	v4 =	vld [tilespmem:s5+$0xFFFFFFF0]  }
0x1e1: {  	v5 =	vld [tilespmem:s5+$0x0]  }
0x1e2: {  	s2 =	simm.s32 $0x30;
	v6 =	vld [tilespmem:s5+$0x10]  }
0x1e3: {  	v7 =	vld [tilespmem:s2+$0x30]  }
0x1e4: {  	v9 =	vld [tilespmem:s5+$0xFFFFFFD0]  }
0x1e5: {  	v8 =	vld [tilespmem:s5+$0x20]  }
0x1e6: {  	v10 =	vld [tilespmem:s2+$0xFFFFFFD0]  }
0x1e7: {  	v11 =	vld [tilespmem:s2+$0xFFFFFFE0];
	v2 =	vadd.s32 v1, v2  }
0x1e8: {  	v61 =	vld [tilespmem:s2+$0xFFFFFFF0];
	v3 =	vadd.s32 v1, v3  }
0x1e9: {  	v63 =	vld [tilespmem:s2+$0x0];
	v62 =	vadd.s32 v1, v9  }
0x1ea: {  	v12 =	vld [tilespmem:s2+$0x10];
	v5 =	vadd.s32 v1, v5  }
0x1eb: {  	v13 =	vld [tilespmem:s2+$0x20];
	v6 =	vadd.s32 v1, v6  }
0x1ec: {  	v8 =	vadd.s32 v1, v8;
	[tilespmem:v2+s25+$0x0] =	vst.idx.add.f32.msk $0xffff, v7  }
0x1ed: {  	v2 =	vadd.s32 v1, v4;
	[tilespmem:v3+s25+$0x0] =	vst.idx.add.f32.msk $0xffff, v11  }
0x1ee: {  	[tilespmem:v62+s25+$0x0] =	vst.idx.add.f32.msk $0xffff, v10  }
0x1ef: {  	[tilespmem:v5+s25+$0x0] =	vst.idx.add.f32.msk $0xffff, v63  }
0x1f0: {  	[tilespmem:v6+s25+$0x0] =	vst.idx.add.f32.msk $0xffff, v12  }
0x1f1: {  	[tilespmem:v8+s25+$0x0] =	vst.idx.add.f32.msk $0xffff, v13  }
0x1f2: {  	s6 =	simm.s32 $0x2AA0;
	s5 =	simm.s32 $0x0;
	[tilespmem:v2+s25+$0x0] =	vst.idx.add.f32.msk $0xffff, v61  }
.LBB2_10:
0x1f3: {  	v2 =	vld [tilespmem:s6+$0x30];
	s5 =	sadd.s32 $0x70, s5  }
0x1f4: {  	v3 =	vld [tilespmem:s6+$0xFFFFFFE0];
	p1 =	slt.u32 s5, $0xD20  }
0x1f5: {  	v4 =	vld [tilespmem:s6+$0xFFFFFFF0]  }
0x1f6: {  	v5 =	vld [tilespmem:s6+$0x0]  }
0x1f7: {  	s2 =	sadd.s32 $0x70, s2;
	v6 =	vld [tilespmem:s6+$0x10]  }
0x1f8: {  	v7 =	vld [tilespmem:s2+$0x30];
	v2 =	vadd.s32 v1, v2  }
0x1f9: {  	v3 =	vadd.s32 v1, v3;
	v8 =	vld [tilespmem:s6+$0x20]  }
0x1fa: {  	v9 =	vld [tilespmem:s6+$0xFFFFFFD0];
	v4 =	vadd.s32 v1, v4  }
0x1fb: {  	v10 =	vld [tilespmem:s2+$0xFFFFFFD0];
	v5 =	vadd.s32 v1, v5  }
0x1fc: {  	v11 =	vld [tilespmem:s2+$0xFFFFFFE0];
	v6 =	vadd.s32 v1, v6  }
0x1fd: {  	[tilespmem:v2+s25+$0x0] =	vst.idx.add.f32.msk $0xffff, v7  }
0x1fe: {  	v2 =	vld [tilespmem:s2+$0xFFFFFFF0];
	v7 =	vadd.s32 v1, v8  }
0x1ff: {  	v8 =	vadd.s32 v1, v9;
	v9 =	vld [tilespmem:s2+$0x0]  }
0x200: {  	v12 =	vld [tilespmem:s2+$0x10]  }
0x201: {  	v13 =	vld [tilespmem:s2+$0x20]  }
0x202: {  	[tilespmem:v3+s25+$0x0] =	vst.idx.add.f32.msk $0xffff, v11  }
.Ltmp6:
0x203: {  	[tilespmem:v4+s25+$0x0] =	vst.idx.add.f32.msk $0xffff, v2;
	(pc) =	sbr.rel @p1 .LBB2_10-.Ltmp6, $4  }
0x204: {  	[tilespmem:v8+s25+$0x0] =	vst.idx.add.f32.msk $0xffff, v10  }
0x205: {  	[tilespmem:v5+s25+$0x0] =	vst.idx.add.f32.msk $0xffff, v9  }
0x206: {  	[tilespmem:v6+s25+$0x0] =	vst.idx.add.f32.msk $0xffff, v12  }
0x207: {  	s6 =	sadd.s32 $0x70, s6;
	[tilespmem:v7+s25+$0x0] =	vst.idx.add.f32.msk $0xffff, v13  }
0x208: {  	_ =	swait.ge [sflag:s26], $0xD90  }
0x209: {  	[sflag:s26] =	ssyncset.done $0x0  }
0x20a: {  	[sflag:s26] =	ssyncadd.s32 $0xFFFFF270  }
0x20b: {  	_ =	swait.ge [sflag:s28], $0xD90  }
0x20c: {  	[sflag:s28] =	ssyncset.done $0x0  }
0x20d: {  	s5 =	simm.s32 $0x3830;
	[sflag:s28] =	ssyncadd.s32 $0xFFFFF270  }
0x20e: {  	v2 =	vld [tilespmem:s5+$0x30]  }
0x20f: {  	v3 =	vld [tilespmem:s5+$0xFFFFFFE0]  }
0x210: {  	v4 =	vld [tilespmem:s5+$0xFFFFFFF0]  }
0x211: {  	v5 =	vld [tilespmem:s5+$0x0]  }
0x212: {  	s2 =	simm.s32 $0xE30;
	v6 =	vld [tilespmem:s5+$0x10]  }
0x213: {  	v7 =	vld [tilespmem:s2+$0x30]  }
0x214: {  	v9 =	vld [tilespmem:s5+$0xFFFFFFD0]  }
0x215: {  	v8 =	vld [tilespmem:s5+$0x20]  }
0x216: {  	v10 =	vld [tilespmem:s2+$0xFFFFFFD0]  }
0x217: {  	v11 =	vld [tilespmem:s2+$0xFFFFFFE0];
	v2 =	vadd.s32 v1, v2  }
0x218: {  	v61 =	vld [tilespmem:s2+$0xFFFFFFF0];
	v3 =	vadd.s32 v1, v3  }
0x219: {  	v63 =	vld [tilespmem:s2+$0x0];
	v62 =	vadd.s32 v1, v9  }
0x21a: {  	v12 =	vld [tilespmem:s2+$0x10];
	v5 =	vadd.s32 v1, v5  }
0x21b: {  	v13 =	vld [tilespmem:s2+$0x20];
	v6 =	vadd.s32 v1, v6  }
0x21c: {  	v8 =	vadd.s32 v1, v8;
	[tilespmem:v2+s25+$0x0] =	vst.idx.add.f32.msk $0xffff, v7  }
0x21d: {  	v2 =	vadd.s32 v1, v4;
	[tilespmem:v3+s25+$0x0] =	vst.idx.add.f32.msk $0xffff, v11  }
0x21e: {  	[tilespmem:v62+s25+$0x0] =	vst.idx.add.f32.msk $0xffff, v10  }
0x21f: {  	[tilespmem:v5+s25+$0x0] =	vst.idx.add.f32.msk $0xffff, v63  }
0x220: {  	[tilespmem:v6+s25+$0x0] =	vst.idx.add.f32.msk $0xffff, v12  }
0x221: {  	[tilespmem:v8+s25+$0x0] =	vst.idx.add.f32.msk $0xffff, v13  }
0x222: {  	s6 =	simm.s32 $0x38A0;
	s5 =	simm.s32 $0x0;
	[tilespmem:v2+s25+$0x0] =	vst.idx.add.f32.msk $0xffff, v61  }
.LBB2_12:
0x223: {  	v2 =	vld [tilespmem:s6+$0x30];
	s5 =	sadd.s32 $0x70, s5  }
0x224: {  	v3 =	vld [tilespmem:s6+$0xFFFFFFE0];
	p1 =	slt.u32 s5, $0xD20  }
0x225: {  	v4 =	vld [tilespmem:s6+$0xFFFFFFF0]  }
0x226: {  	v5 =	vld [tilespmem:s6+$0x0]  }
0x227: {  	s2 =	sadd.s32 $0x70, s2;
	v6 =	vld [tilespmem:s6+$0x10]  }
0x228: {  	v7 =	vld [tilespmem:s2+$0x30];
	v2 =	vadd.s32 v1, v2  }
0x229: {  	v3 =	vadd.s32 v1, v3;
	v8 =	vld [tilespmem:s6+$0x20]  }
0x22a: {  	v9 =	vld [tilespmem:s6+$0xFFFFFFD0];
	v4 =	vadd.s32 v1, v4  }
0x22b: {  	v10 =	vld [tilespmem:s2+$0xFFFFFFD0];
	v5 =	vadd.s32 v1, v5  }
0x22c: {  	v11 =	vld [tilespmem:s2+$0xFFFFFFE0];
	v6 =	vadd.s32 v1, v6  }
0x22d: {  	[tilespmem:v2+s25+$0x0] =	vst.idx.add.f32.msk $0xffff, v7  }
0x22e: {  	v2 =	vld [tilespmem:s2+$0xFFFFFFF0];
	v7 =	vadd.s32 v1, v8  }
0x22f: {  	v8 =	vadd.s32 v1, v9;
	v9 =	vld [tilespmem:s2+$0x0]  }
0x230: {  	v12 =	vld [tilespmem:s2+$0x10]  }
0x231: {  	v13 =	vld [tilespmem:s2+$0x20]  }
0x232: {  	[tilespmem:v3+s25+$0x0] =	vst.idx.add.f32.msk $0xffff, v11  }
.Ltmp7:
0x233: {  	[tilespmem:v4+s25+$0x0] =	vst.idx.add.f32.msk $0xffff, v2;
	(pc) =	sbr.rel @p1 .LBB2_12-.Ltmp7, $4  }
0x234: {  	[tilespmem:v8+s25+$0x0] =	vst.idx.add.f32.msk $0xffff, v10  }
0x235: {  	[tilespmem:v5+s25+$0x0] =	vst.idx.add.f32.msk $0xffff, v9  }
0x236: {  	[tilespmem:v6+s25+$0x0] =	vst.idx.add.f32.msk $0xffff, v12  }
0x237: {  	s6 =	sadd.s32 $0x70, s6;
	[tilespmem:v7+s25+$0x0] =	vst.idx.add.f32.msk $0xffff, v13  }
0x238: {  	_ =	swait.ge [sflag:s29], $0xD90  }
0x239: {  	[sflag:s29] =	ssyncset.done $0x0  }
0x23a: {  	[sflag:s29] =	ssyncadd.s32 $0xFFFFF270  }
0x23b: {  	_ =	swait.ge [sflag:s30], $0xD90  }
0x23c: {  	[sflag:s30] =	ssyncset.done $0x0  }
0x23d: {  	s5 =	simm.s32 $0x4630;
	[sflag:s30] =	ssyncadd.s32 $0xFFFFF270  }
0x23e: {  	v2 =	vld [tilespmem:s5+$0x30]  }
0x23f: {  	v3 =	vld [tilespmem:s5+$0xFFFFFFE0]  }
0x240: {  	v4 =	vld [tilespmem:s5+$0xFFFFFFF0]  }
0x241: {  	v5 =	vld [tilespmem:s5+$0x0]  }
0x242: {  	s2 =	simm.s32 $0x1C30;
	v6 =	vld [tilespmem:s5+$0x10]  }
0x243: {  	v7 =	vld [tilespmem:s2+$0x30]  }
0x244: {  	v9 =	vld [tilespmem:s5+$0xFFFFFFD0]  }
0x245: {  	v8 =	vld [tilespmem:s5+$0x20]  }
0x246: {  	v10 =	vld [tilespmem:s2+$0xFFFFFFD0]  }
0x247: {  	v11 =	vld [tilespmem:s2+$0xFFFFFFE0];
	v2 =	vadd.s32 v1, v2  }
0x248: {  	v61 =	vld [tilespmem:s2+$0xFFFFFFF0];
	v3 =	vadd.s32 v1, v3  }
0x249: {  	v63 =	vld [tilespmem:s2+$0x0];
	v62 =	vadd.s32 v1, v9  }
0x24a: {  	v12 =	vld [tilespmem:s2+$0x10];
	v5 =	vadd.s32 v1, v5  }
0x24b: {  	v13 =	vld [tilespmem:s2+$0x20];
	v6 =	vadd.s32 v1, v6  }
0x24c: {  	v8 =	vadd.s32 v1, v8;
	[tilespmem:v2+s25+$0x0] =	vst.idx.add.f32.msk $0xffff, v7  }
0x24d: {  	v2 =	vadd.s32 v1, v4;
	[tilespmem:v3+s25+$0x0] =	vst.idx.add.f32.msk $0xffff, v11  }
0x24e: {  	[tilespmem:v62+s25+$0x0] =	vst.idx.add.f32.msk $0xffff, v10  }
0x24f: {  	[tilespmem:v5+s25+$0x0] =	vst.idx.add.f32.msk $0xffff, v63  }
0x250: {  	[tilespmem:v6+s25+$0x0] =	vst.idx.add.f32.msk $0xffff, v12  }
0x251: {  	[tilespmem:v8+s25+$0x0] =	vst.idx.add.f32.msk $0xffff, v13  }
0x252: {  	s6 =	simm.s32 $0x46A0;
	s5 =	simm.s32 $0x0;
	[tilespmem:v2+s25+$0x0] =	vst.idx.add.f32.msk $0xffff, v61  }
.LBB2_14:
0x253: {  	v2 =	vld [tilespmem:s6+$0x30];
	s5 =	sadd.s32 $0x70, s5  }
0x254: {  	v3 =	vld [tilespmem:s6+$0xFFFFFFE0];
	p1 =	slt.u32 s5, $0xD20  }
0x255: {  	v4 =	vld [tilespmem:s6+$0xFFFFFFF0]  }
0x256: {  	v5 =	vld [tilespmem:s6+$0x0]  }
0x257: {  	s2 =	sadd.s32 $0x70, s2;
	v6 =	vld [tilespmem:s6+$0x10]  }
0x258: {  	v7 =	vld [tilespmem:s2+$0x30];
	v2 =	vadd.s32 v1, v2  }
0x259: {  	v3 =	vadd.s32 v1, v3;
	v8 =	vld [tilespmem:s6+$0x20]  }
0x25a: {  	v9 =	vld [tilespmem:s6+$0xFFFFFFD0];
	v4 =	vadd.s32 v1, v4  }
0x25b: {  	v10 =	vld [tilespmem:s2+$0xFFFFFFD0];
	v5 =	vadd.s32 v1, v5  }
0x25c: {  	v11 =	vld [tilespmem:s2+$0xFFFFFFE0];
	v6 =	vadd.s32 v1, v6  }
0x25d: {  	[tilespmem:v2+s25+$0x0] =	vst.idx.add.f32.msk $0xffff, v7  }
0x25e: {  	v2 =	vld [tilespmem:s2+$0xFFFFFFF0];
	v7 =	vadd.s32 v1, v8  }
0x25f: {  	v8 =	vadd.s32 v1, v9;
	v9 =	vld [tilespmem:s2+$0x0]  }
0x260: {  	v12 =	vld [tilespmem:s2+$0x10]  }
0x261: {  	v13 =	vld [tilespmem:s2+$0x20]  }
0x262: {  	[tilespmem:v3+s25+$0x0] =	vst.idx.add.f32.msk $0xffff, v11  }
.Ltmp8:
0x263: {  	[tilespmem:v4+s25+$0x0] =	vst.idx.add.f32.msk $0xffff, v2;
	(pc) =	sbr.rel @p1 .LBB2_14-.Ltmp8, $4  }
0x264: {  	[tilespmem:v8+s25+$0x0] =	vst.idx.add.f32.msk $0xffff, v10  }
0x265: {  	[tilespmem:v5+s25+$0x0] =	vst.idx.add.f32.msk $0xffff, v9  }
0x266: {  	[tilespmem:v6+s25+$0x0] =	vst.idx.add.f32.msk $0xffff, v12  }
0x267: {  	s6 =	sadd.s32 $0x70, s6;
	[tilespmem:v7+s25+$0x0] =	vst.idx.add.f32.msk $0xffff, v13  }
.Ltmp9:
0x268: {  	(pc) =	sbr.rel @p0 .LBB2_19-.Ltmp9, $1  }
0x269: {  	_ =	sdelay $0x3  }
0x26a: {  	s2 =	simm.s32 $0x0;
	s5 =	rddreg [dreg:$0x6]  }
0x26b: {  	[tilespmem:s2], [sflag:$0x7] =	stream.linear.gather [hbm4b:s5+s2], $0x80, $0x38;
	[tilespmem:$0x5C80] =	vst v63  }
0x26c: {  	_ =	swait.ge [sflag:s31], $0x80  }
0x26d: {  	[sflag:s31] =	ssyncset.done $0x0  }
0x26e: {  	s15 =	simm.s32 $0x2A00;
	s6 =	rddreg [dreg:$0x7];
	[sflag:s31] =	ssyncadd.s32 $0xFFFFFF80  }
0x26f: {  	[tilespmem:s15], [sflag:$0x7] =	stream.linear.gather [hbm4b:s6+s2], $0x80, $0x38;
	[tilespmem:$0x5C80] =	vst v63  }
0x270: {  	_ =	swait.ge [sflag:s31], $0x80  }
0x271: {  	[sflag:s31] =	ssyncset.done $0x0  }
0x272: {  	[sflag:s31] =	ssyncadd.s32 $0xFFFFFF80  }
0x273: {  	v3 =	vld [tilespmem:s15+$0x0];
	_ =	sdelay $0x3  }
0x274: {  	s5 =	simm.s32 $0x2A10;
	v2 =	vld [tilespmem:s2+$0x0]  }
0x275: {  	s6 =	simm.s32 $0x10;
	v4 =	vld [tilespmem:s5+$0x0];
	v3 =	vadd.s32 v1, v3  }
.LBB2_17:
0x276: {  	s6 =	sadd.s32 $0x10, s6  }
0x277: {  	p1 =	slt.u32 s6, $0x70  }
.Ltmp10:
0x278: {  	_ = 	snop;
	(pc) =	sbr.rel @p1 .LBB2_17-.Ltmp10, $4  }
0x279: {  	_ = 	snop  }
0x27a: {  	s2 =	sadd.s32 $0x10, s2;
	[tilespmem:v3+s25+$0x0] =	vst.idx.add.f32.msk $0xffff, v2  }
0x27b: {  	s5 =	sadd.s32 $0x10, s5;
	v2 =	vld [tilespmem:s2+$0x0];
	v3 =	vadd.s32 v1, v4  }
0x27c: {  	v4 =	vld [tilespmem:s5+$0x0]  }
0x27d: {  	_ =	sdelay $0x2  }
0x27e: {  	s2 =	sadd.s32 $0x10, s2  }
0x27f: {  	v5 =	vld [tilespmem:s2+$0x0];
	v4 =	vadd.s32 v1, v4  }
.Ltmp11:
0x280: {  	_ = 	snop;
	(pc) =	sbr.rel .LBB2_19-.Ltmp11, $3  }
0x281: {  	_ =	sdelay $0x1  }
0x282: {  	[tilespmem:v3+s25+$0x0] =	vst.idx.add.f32.msk $0xffff, v2  }
0x283: {  	[tilespmem:v4+s25+$0x0] =	vst.idx.add.f32.msk $0xffff, v5  }
.LBB2_20:
0x284: {  	_ =	sfence.sel $0x180000  }
0x285: {  	[bflag:$0x0] =	sbarrier.arrive $0xFFFF  }
0x286: {  	_ =	strace $0x90000047  }
0x287: {  	s0 =	stileid.u32;
	[bflag:$0x2] =	sbarrier.arrive $0xFFFF  }
0x288: {  	p0 =	sne.s32 s0, $0x0;
	s0 =	rddreg [dreg:$0x3]  }
0x289: {  	s0 =	sadd.s32 @!p0 $0x100000, s0  }
0x28a: {  	[sflag:s0] =	ssyncadd.tile.s32 @!p0 $0x1;
	_ =	shalt  }
.Lfunc_end2:
_tile_overlayer_lowered:
.L_overlay_start_2:
0x28b: {  	(tag) =	ssettag $0x2  }
0x28c: {  	s0 =	rddreg [dreg:$0x0];
	s2 =	stileid.u32  }
0x28d: {  	s1 =	rddreg [dreg:$0x1];
	p0 =	sne.s32 s2, $0x0  }
0x28e: {  	s3 =	rddreg [dreg:$0x2];
	[bflag:$0x3] =	sbarrier.arrive $0xFFFF;
	s2 =	simm.s32 @!p0 $0x1C07  }
0x28f: {  	[timem:s3], [sflag:s2] =	dma.local @!p0 [hbm:s0], s1  }
0x290: {  	s0 =	simm.s32 @!p0 $0x7  }
0x291: {  	_ =	swait.ge @!p0 [sflag:s0], s1  }
0x292: {  	s1 =	ssub.s32 @!p0 $0x0, s1;
	[sflag:s0] =	ssyncset.done @!p0 $0x0  }
0x293: {  	[sflag:s0] =	ssyncadd.s32 @!p0 s1  }
0x294: {  	[bflag:$0x3] =	sbarrier.arrive $0xFFFF  }
0x295: {  	_ =	shalt  }

</sc_bundles>
